<compile_context>
chip_gen: v7x
topology: tpu7x:2x2x1
jax: 0.10.2.dev20260603
libtpu: 0.0.44.dev20260713+nightly
codegen_flags: <defaults>
</compile_context>

<pallas_src>
import functools

import jax
import jax.numpy as jnp
from jax import lax
from jax.experimental import pallas as pl
from jax.experimental.pallas import tpu as pltpu
from jax.experimental.pallas import tpu_sc as plsc

D_APP = 256
D_FEAT = 260
BIG_W = 512
OUT_W = 524
TAIL = 12
EB = 32
L = 16


def _features_and_tables(objects_list):
    n, dtot = objects_list.shape
    rows_blk = 1000

    def body(obj_ref, feat_ref, ta_ref, ts_ref, ct_ref):
        x = obj_ref[...]
        app = x[:, :D_APP]
        w = x[:, D_APP:D_APP + 1]
        h = x[:, D_APP + 1:D_APP + 2]
        denom = jnp.maximum(jnp.concatenate([w, h, w, h], axis=1), 1.0)
        pos = x[:, D_APP + 2:D_APP + 6] / denom
        feat_ref[...] = jnp.concatenate([app, pos], axis=1)
        ta_ref[...] = app
        z4 = jnp.zeros((app.shape[0], 4), jnp.float32)
        ts_ref[...] = jnp.concatenate([z4, app[:, :D_APP - 4]], axis=1)
        ct_ref[...] = jnp.concatenate([app[:, D_APP - 4:], pos], axis=1)

    return pl.pallas_call(
        body,
        grid=(n // rows_blk,),
        in_specs=[pl.BlockSpec((rows_blk, dtot), lambda i: (i, 0))],
        out_specs=[pl.BlockSpec((rows_blk, D_FEAT), lambda i: (i, 0)),
                   pl.BlockSpec((rows_blk, D_APP), lambda i: (i, 0)),
                   pl.BlockSpec((rows_blk, D_APP), lambda i: (i, 0)),
                   pl.BlockSpec((rows_blk, 8), lambda i: (i, 0))],
        out_shape=[jax.ShapeDtypeStruct((n, D_FEAT), jnp.float32),
                   jax.ShapeDtypeStruct((n, D_APP), jnp.float32),
                   jax.ShapeDtypeStruct((n, D_APP), jnp.float32),
                   jax.ShapeDtypeStruct((n, 8), jnp.float32)],
    )(objects_list)


def _sqrt16(x):
    bits = plsc.bitcast(x, jnp.int32)
    r = plsc.bitcast(jnp.int32(0x5F3759DF) - lax.shift_right_logical(bits, 1),
                     jnp.float32)
    hx = 0.5 * x
    for _ in range(3):
        r = r * (1.5 - hx * r * r)
    return x * r


def _atan16(a):
    s = a * a
    p = -0.01172120
    for c in (0.05265332, -0.11643287, 0.19354346, -0.33262347, 0.99997726):
        p = p * s + c
    return a * p


def _relation_call(table_a, table_s, ctab, i1, i2, num_edges):
    info = plsc.get_sparse_core_info()
    nw = info.num_cores * info.num_subcores
    num_chunks = num_edges // EB
    slots = -(-num_chunks // nw)
    slots += slots % 2
    npairs = slots // 2
    n_obj = table_a.shape[0]
    mesh = plsc.VectorSubcoreMesh(core_axis_name="c", subcore_axis_name="s")

    @functools.partial(
        pl.kernel, mesh=mesh,
        out_type=jax.ShapeDtypeStruct((num_edges, OUT_W), jnp.float32),
        scratch_types=[
            pltpu.VMEM((EB,), jnp.int32), pltpu.VMEM((EB,), jnp.int32),
            pltpu.VMEM((EB,), jnp.int32), pltpu.VMEM((EB,), jnp.int32),
            pltpu.VMEM((EB, BIG_W), jnp.float32),
            pltpu.VMEM((EB, BIG_W), jnp.float32),
            pltpu.VMEM((EB, TAIL), jnp.float32),
            pltpu.VMEM((EB, TAIL), jnp.float32),
            pltpu.VMEM((n_obj * 8,), jnp.float32),
            pltpu.SemaphoreType.DMA, pltpu.SemaphoreType.DMA,
            pltpu.SemaphoreType.DMA, pltpu.SemaphoreType.DMA,
            pltpu.SemaphoreType.DMA, pltpu.SemaphoreType.DMA,
        ],
        compiler_params=pltpu.CompilerParams(needs_layout_passes=False),
    )
    def k(ta_hbm, ts_hbm, ct_hbm, i1_hbm, i2_hbm, out_hbm,
          ia1, ia2, ib1, ib2, biga, bigb, taila, tailb, ctab_v,
          semi_a, semi_b, semg_a, semg_b, semo_a, semo_b):
        wid = lax.axis_index("s") * info.num_cores + lax.axis_index("c")
        pltpu.sync_copy(ct_hbm, ctab_v)

        bufs = (
            (ia1, ia2, biga, taila, semi_a, semg_a, semo_a),
            (ib1, ib2, bigb, tailb, semi_b, semg_b, semo_b),
        )

        def chunk_base(i, p):
            kk = lax.rem(wid + (2 * i + p) * nw, num_chunks)
            return kk * EB

        def idx_start(p, base):
            x1, x2, _, _, semi, _, _ = bufs[p]
            pltpu.async_copy(i1_hbm.at[pl.ds(base, EB)], x1, semi)
            pltpu.async_copy(i2_hbm.at[pl.ds(base, EB)], x2, semi)

        def idx_wait(p):
            x1, x2, _, _, semi, _, _ = bufs[p]
            pltpu.make_async_copy(i1_hbm.at[pl.ds(0, EB)], x1, semi).wait()
            pltpu.make_async_copy(i2_hbm.at[pl.ds(0, EB)], x2, semi).wait()

        def gathers_start(p):
            x1, x2, big, _, _, semg, _ = bufs[p]
            pltpu.async_copy(ta_hbm.at[x1], big.at[:, pl.ds(0, D_APP)], semg)
            pltpu.async_copy(ts_hbm.at[x2], big.at[:, pl.ds(D_APP, D_APP)],
                             semg)

        def gathers_wait(p):
            x1, x2, big, _, _, semg, _ = bufs[p]
            pltpu.make_async_copy(ta_hbm.at[x1],
                                  big.at[:, pl.ds(0, D_APP)], semg).wait()
            pltpu.make_async_copy(ts_hbm.at[x2],
                                  big.at[:, pl.ds(D_APP, D_APP)],
                                  semg).wait()

        def out_start(p, base):
            _, _, big, tail, _, _, semo = bufs[p]
            pltpu.async_copy(big,
                             out_hbm.at[pl.ds(base, EB), pl.ds(0, BIG_W)],
                             semo)
            pltpu.async_copy(tail,
                             out_hbm.at[pl.ds(base, EB), pl.ds(BIG_W, TAIL)],
                             semo)

        def out_wait(p):
            _, _, big, tail, _, _, semo = bufs[p]
            pltpu.make_async_copy(
                big, out_hbm.at[pl.ds(0, EB), pl.ds(0, BIG_W)], semo).wait()
            pltpu.make_async_copy(
                tail, out_hbm.at[pl.ds(0, EB), pl.ds(BIG_W, TAIL)],
                semo).wait()

        def compute(p):
            x1r, x2r, big, tail, _, _, _ = bufs[p]
            for g in range(EB // L):
                rids = jnp.arange(L, dtype=jnp.int32) + (g * L)
                obj1 = x1r[pl.ds(g * L, L)] * 8
                obj2 = x2r[pl.ds(g * L, L)] * 8

                def ccol(obj, c):
                    return plsc.load_gather(
                        ctab_v, [obj + jnp.full((L,), c, jnp.int32)])

                def put_big(c, v):
                    plsc.store_scatter(
                        big, [rids, jnp.full((L,), c, jnp.int32)], v)

                def put_tail(c, v):
                    plsc.store_scatter(
                        tail, [rids, jnp.full((L,), c, jnp.int32)], v)

                x1 = ccol(obj1, 4)
                y1 = ccol(obj1, 5)
                w1 = ccol(obj1, 6)
                h1 = ccol(obj1, 7)
                x2 = ccol(obj2, 4)
                y2 = ccol(obj2, 5)
                w2 = ccol(obj2, 6)
                h2 = ccol(obj2, 7)
                put_big(D_APP, x1)
                put_big(D_APP + 1, y1)
                put_big(D_APP + 2, w1)
                put_big(D_APP + 3, h1)
                for c in range(4):
                    put_tail(c, ccol(obj2, c))
                put_tail(4, x2)
                put_tail(5, y2)
                put_tail(6, w2)
                put_tail(7, h2)

                dx = ((x1 + w1 * 0.5) - x2) - w2 * 0.5
                dy = ((y1 + h1 * 0.5) - y2) - h2 * 0.5
                dist = _sqrt16(dx * dx + dy * dy)
                ax = jnp.abs(dx)
                ay = jnp.abs(dy)
                a = jnp.minimum(ax, ay) / jnp.maximum(
                    jnp.maximum(ax, ay), 1e-30)
                th = _atan16(a)
                th = jnp.where(ay > ax, (jnp.pi / 2) - th, th)
                put_tail(8, dist)
                put_tail(9, jnp.sign(dy) * th)
                put_tail(10, jnp.sign(x2 - x1))
                put_tail(11, jnp.sign(y2 - y1))

        idx_start(0, chunk_base(0, 0))
        idx_start(1, chunk_base(0, 1))

        def pair_body(i, carry):
            for p in (0, 1):
                idx_wait(p)

                @pl.when(i > 0)
                def _():
                    out_wait(p)
                gathers_start(p)
            for p in (0, 1):
                gathers_wait(p)
                compute(p)
                out_start(p, chunk_base(i, p))

                @pl.when(i + 1 < npairs)
                def _():
                    idx_start(p, chunk_base(i + 1, p))
            return carry

        lax.fori_loop(0, npairs, pair_body, 0)
        out_wait(0)
        out_wait(1)

    return k(table_a, table_s, ctab, i1, i2)


def kernel(objects_list, batch_index, ind0, ind1, ind2):
    feat, table_a, table_s, ctab = _features_and_tables(objects_list)
    i1 = ind1.astype(jnp.int32)
    i2 = ind2.astype(jnp.int32)
    rel = _relation_call(table_a, table_s, ctab.reshape(-1), i1, i2,
                         i1.shape[0])
    return feat, rel

# --- scband reference (transcript-rebuilt; emitter-appended) ---
"""Pipeline reference for scband-batch-gqabox-featurizer-26130581029175 (READ-ONLY COPY).

The authoritative reference and input builder live on the scoring server;
editing this copy changes nothing except your own understanding.
"""

import jax, jax.numpy as jnp
import numpy as np

N = 10000   # total objects across batch
E = 160000  # relation pairs
D = 256     # appearance feature dim (objects_list has D+6 cols)
B = 64      # number of scenes


def setup_inputs(seed: int = 0) -> dict:
    key = jax.random.key(seed)
    k1, k2, k3, k4, k5 = jax.random.split(key, 5)
    objects_list = jax.random.normal(k1, (N, D + 6), dtype=jnp.float32)
    batch_index = jnp.sort(jax.random.randint(k2, (N,), 0, B, dtype=jnp.int64))
    ind0 = jax.random.randint(k3, (E,), 0, B, dtype=jnp.int64)
    ind1 = jax.random.randint(k4, (E,), 0, N, dtype=jnp.int64)
    ind2 = jax.random.randint(k5, (E,), 0, N, dtype=jnp.int64)
    return {"objects_list": objects_list, "batch_index": batch_index,
            "ind0": ind0, "ind1": ind1, "ind2": ind2}


def reference(objects_list, batch_index, ind0, ind1, ind2):
    # featurizer_network is None -> identity on appearance features
    object_features = objects_list[:, :-6]
    w_img = objects_list[:, -6]
    h_img = objects_list[:, -5]
    denom = jnp.maximum(jnp.stack([w_img, h_img, w_img, h_img], axis=1), 1.0)  # clamp(1)
    positional_features = objects_list[:, -4:] / denom
    object_features = jnp.concatenate([object_features, positional_features], axis=1)

    # relation features from precomputed pair indices (object_pairs branch, flattened)
    relation_features = jnp.concatenate(
        [jnp.take(object_features, ind1, axis=0),
         jnp.take(object_features, ind2, axis=0)], axis=1)
    x1 = positional_features[ind1, 0]
    y1 = positional_features[ind1, 1]
    w1 = positional_features[ind1, 2]
    h1 = positional_features[ind1, 3]
    x2 = positional_features[ind2, 0]
    y2 = positional_features[ind2, 1]
    w2 = positional_features[ind2, 2]
    h2 = positional_features[ind2, 3]
    dx = x1 + w1 / 2.0 - x2 - w2 / 2.0
    dy = y1 + h1 / 2.0 - y2 - h2 / 2.0
    distance = jnp.sqrt(dx ** 2 + dy ** 2)
    angle = jnp.arcsin(dy / jnp.maximum(distance, 1e-10))[:, None]
    h_side = jnp.sign(x2 - x1)[:, None]
    v_side = jnp.sign(y2 - y1)[:, None]
    relation_features = jnp.concatenate(
        [relation_features, distance[:, None], angle, h_side, v_side], axis=1)
    return object_features, relation_features

if __name__ == "__main__":
    import jax
    _d = setup_inputs()
    print(jax.jit(kernel)(*tuple(_d.values())))

</pallas_src>

<mosaic_0001>
#map = affine_map<(d0, d1) -> (0, 0)>
#map1 = affine_map<(d0, d1) -> (0)>
module attributes {stable_mosaic.version = 14 : i64} {
  func.func @k(%arg0: i32, %arg1: i32, %arg2: memref<10000x256xf32, #tpu.memory_space<hbm>>, %arg3: memref<10000x256xf32, #tpu.memory_space<hbm>>, %arg4: memref<80000xf32, #tpu.memory_space<hbm>>, %arg5: memref<160000xi32, #tpu.memory_space<hbm>>, %arg6: memref<160000xi32, #tpu.memory_space<hbm>>, %arg7: memref<160000x524xf32, #tpu.memory_space<hbm>>, %arg8: memref<32xi32, #tpu.memory_space<vmem>>, %arg9: memref<32xi32, #tpu.memory_space<vmem>>, %arg10: memref<32xi32, #tpu.memory_space<vmem>>, %arg11: memref<32xi32, #tpu.memory_space<vmem>>, %arg12: memref<32x512xf32, #tpu.memory_space<vmem>>, %arg13: memref<32x512xf32, #tpu.memory_space<vmem>>, %arg14: memref<32x12xf32, #tpu.memory_space<vmem>>, %arg15: memref<32x12xf32, #tpu.memory_space<vmem>>, %arg16: memref<80000xf32, #tpu.memory_space<vmem>>, %arg17: memref<!tpu.dma_semaphore, #tpu.memory_space<semaphore_mem>>, %arg18: memref<!tpu.dma_semaphore, #tpu.memory_space<semaphore_mem>>, %arg19: memref<!tpu.dma_semaphore, #tpu.memory_space<semaphore_mem>>, %arg20: memref<!tpu.dma_semaphore, #tpu.memory_space<semaphore_mem>>, %arg21: memref<!tpu.dma_semaphore, #tpu.memory_space<semaphore_mem>>, %arg22: memref<!tpu.dma_semaphore, #tpu.memory_space<semaphore_mem>>) attributes {dimension_semantics = [#tpu.dimension_semantics<core_parallel>, #tpu.dimension_semantics<subcore_parallel>], iteration_bounds = array<i64: 2, 16>, scalar_prefetch = 0 : i64, scratch_operands = 15 : i64, tpu.core_type = #tpu.core_type<sc_vector_subcore>, window_params = [{transform_indices = #map}, {transform_indices = #map}, {transform_indices = #map1}, {transform_indices = #map1}, {transform_indices = #map1}, {transform_indices = #map}]} {
    %mul3A = arith.constant 2 : i32
    %mul3A_0 = arith.muli %arg1, %mul3A : i32
    %add3A = arith.addi %mul3A_0, %arg0 : i32
    "tpu.region"() ({
      %run_scoped3A = tpu.sem_alloc : memref<!tpu.dma_semaphore, #tpu.memory_space<semaphore_mem>>
      tpu.enqueue_dma source(%arg4 : memref<80000xf32, #tpu.memory_space<hbm>>) target(%arg16 : memref<80000xf32, #tpu.memory_space<vmem>>) target_semaphore(%run_scoped3A : memref<!tpu.dma_semaphore, #tpu.memory_space<semaphore_mem>>)
      tpu.wait_dma2 semaphore(%run_scoped3A : memref<!tpu.dma_semaphore, #tpu.memory_space<semaphore_mem>>) src(%arg4 : memref<80000xf32, #tpu.memory_space<hbm>>) dst(%arg16 : memref<80000xf32, #tpu.memory_space<vmem>>)
      tpu.yield
    }) : () -> ()
    %add3A_1 = arith.constant 0 : i32
    %add3A_2 = arith.addi %add3A, %add3A_1 : i32
    %rem3A = arith.constant 5000 : i32
    %rem3A_3 = arith.remsi %add3A_2, %rem3A : i32
    %mul3A_4 = arith.constant 32 : i32
    %mul3A_5 = arith.muli %rem3A_3, %mul3A_4 : i32
    %dma_start3A = tpu.memref_slice %arg5[%mul3A_5] : memref<160000xi32, #tpu.memory_space<hbm>> -> memref<32xi32, #tpu.memory_space<hbm>>
    %dma_start3A_6 = tpu.memref_slice %arg5[%mul3A_5] : memref<160000xi32, #tpu.memory_space<hbm>> -> memref<32xi32, #tpu.memory_space<hbm>>
    tpu.enqueue_dma source(%dma_start3A_6 : memref<32xi32, #tpu.memory_space<hbm>>) target(%arg8 : memref<32xi32, #tpu.memory_space<vmem>>) target_semaphore(%arg17 : memref<!tpu.dma_semaphore, #tpu.memory_space<semaphore_mem>>)
    %dma_start3A_7 = tpu.memref_slice %arg6[%mul3A_5] : memref<160000xi32, #tpu.memory_space<hbm>> -> memref<32xi32, #tpu.memory_space<hbm>>
    %dma_start3A_8 = tpu.memref_slice %arg6[%mul3A_5] : memref<160000xi32, #tpu.memory_space<hbm>> -> memref<32xi32, #tpu.memory_space<hbm>>
    tpu.enqueue_dma source(%dma_start3A_8 : memref<32xi32, #tpu.memory_space<hbm>>) target(%arg9 : memref<32xi32, #tpu.memory_space<vmem>>) target_semaphore(%arg17 : memref<!tpu.dma_semaphore, #tpu.memory_space<semaphore_mem>>)
    %add3A_9 = arith.constant 32 : i32
    %add3A_10 = arith.addi %add3A, %add3A_9 : i32
    %rem3A_11 = arith.constant 5000 : i32
    %rem3A_12 = arith.remsi %add3A_10, %rem3A_11 : i32
    %mul3A_13 = arith.constant 32 : i32
    %mul3A_14 = arith.muli %rem3A_12, %mul3A_13 : i32
    %dma_start3A_15 = tpu.memref_slice %arg5[%mul3A_14] : memref<160000xi32, #tpu.memory_space<hbm>> -> memref<32xi32, #tpu.memory_space<hbm>>
    %dma_start3A_16 = tpu.memref_slice %arg5[%mul3A_14] : memref<160000xi32, #tpu.memory_space<hbm>> -> memref<32xi32, #tpu.memory_space<hbm>>
    tpu.enqueue_dma source(%dma_start3A_16 : memref<32xi32, #tpu.memory_space<hbm>>) target(%arg10 : memref<32xi32, #tpu.memory_space<vmem>>) target_semaphore(%arg18 : memref<!tpu.dma_semaphore, #tpu.memory_space<semaphore_mem>>)
    %dma_start3A_17 = tpu.memref_slice %arg6[%mul3A_14] : memref<160000xi32, #tpu.memory_space<hbm>> -> memref<32xi32, #tpu.memory_space<hbm>>
    %dma_start3A_18 = tpu.memref_slice %arg6[%mul3A_14] : memref<160000xi32, #tpu.memory_space<hbm>> -> memref<32xi32, #tpu.memory_space<hbm>>
    tpu.enqueue_dma source(%dma_start3A_18 : memref<32xi32, #tpu.memory_space<hbm>>) target(%arg11 : memref<32xi32, #tpu.memory_space<vmem>>) target_semaphore(%arg18 : memref<!tpu.dma_semaphore, #tpu.memory_space<semaphore_mem>>)
    %scan3A = arith.constant 0 : i32
    %scan3A_19 = arith.constant 0 : i32
    %scan3A_20 = arith.constant 79 : i32
    %scan3A_21 = arith.addi %scan3A_19, %scan3A_20 : i32
    %scan3A_22 = arith.constant 1 : i32
    scf.for %scan3A_47 = %scan3A_19 to %scan3A_21 step %scan3A_22  : i32 {
      %dma_wait3A_48 = arith.constant 0 : i32
      %dma_wait3A_49 = tpu.memref_slice %arg5[%dma_wait3A_48] : memref<160000xi32, #tpu.memory_space<hbm>> -> memref<32xi32, #tpu.memory_space<hbm>>
      %dma_wait3A_50 = arith.constant 0 : i32
      %dma_wait3A_51 = tpu.memref_slice %arg5[%dma_wait3A_50] : memref<160000xi32, #tpu.memory_space<hbm>> -> memref<32xi32, #tpu.memory_space<hbm>>
      tpu.wait_dma2 semaphore(%arg17 : memref<!tpu.dma_semaphore, #tpu.memory_space<semaphore_mem>>) src(%dma_wait3A_51 : memref<32xi32, #tpu.memory_space<hbm>>) dst(%arg8 : memref<32xi32, #tpu.memory_space<vmem>>)
      %dma_wait3A_52 = arith.constant 0 : i32
      %dma_wait3A_53 = tpu.memref_slice %arg6[%dma_wait3A_52] : memref<160000xi32, #tpu.memory_space<hbm>> -> memref<32xi32, #tpu.memory_space<hbm>>
      %dma_wait3A_54 = arith.constant 0 : i32
      %dma_wait3A_55 = tpu.memref_slice %arg6[%dma_wait3A_54] : memref<160000xi32, #tpu.memory_space<hbm>> -> memref<32xi32, #tpu.memory_space<hbm>>
      tpu.wait_dma2 semaphore(%arg17 : memref<!tpu.dma_semaphore, #tpu.memory_space<semaphore_mem>>) src(%dma_wait3A_55 : memref<32xi32, #tpu.memory_space<hbm>>) dst(%arg9 : memref<32xi32, #tpu.memory_space<vmem>>)
      %gt3A = arith.constant 0 : i32
      %gt3A_56 = arith.cmpi sgt, %scan3A_47, %gt3A : i32
      %convert_element_type3A = arith.extui %gt3A_56 : i1 to i32
      %cond3A = arith.constant 0 : i32
      %cond3A_57 = arith.cmpi ne, %convert_element_type3A, %cond3A : i32
      scf.if %cond3A_57 {
        %dma_wait3A_1053 = arith.constant 0 : i32
        %dma_wait3A_1054 = arith.constant 0 : i32
        %dma_wait3A_1055 = tpu.memref_slice %arg7[%dma_wait3A_1053, %dma_wait3A_1054] : memref<160000x524xf32, #tpu.memory_space<hbm>> -> memref<32x512xf32, #tpu.memory_space<hbm>>
        %dma_wait3A_1056 = arith.constant 0 : i32
        %dma_wait3A_1057 = arith.constant 0 : i32
        %dma_wait3A_1058 = tpu.memref_slice %arg7[%dma_wait3A_1056, %dma_wait3A_1057] : memref<160000x524xf32, #tpu.memory_space<hbm>> -> memref<32x512xf32, #tpu.memory_space<hbm>>
        tpu.wait_dma2 semaphore(%arg21 : memref<!tpu.dma_semaphore, #tpu.memory_space<semaphore_mem>>) src(%arg12 : memref<32x512xf32, #tpu.memory_space<vmem>>) dst(%dma_wait3A_1058 : memref<32x512xf32, #tpu.memory_space<hbm>>)
        %dma_wait3A_1059 = arith.constant 0 : i32
        %dma_wait3A_1060 = arith.constant 512 : i32
        %dma_wait3A_1061 = tpu.memref_slice %arg7[%dma_wait3A_1059, %dma_wait3A_1060] : memref<160000x524xf32, #tpu.memory_space<hbm>> -> memref<32x12xf32, #tpu.memory_space<hbm>>
        %dma_wait3A_1062 = arith.constant 0 : i32
        %dma_wait3A_1063 = arith.constant 512 : i32
        %dma_wait3A_1064 = tpu.memref_slice %arg7[%dma_wait3A_1062, %dma_wait3A_1063] : memref<160000x524xf32, #tpu.memory_space<hbm>> -> memref<32x12xf32, #tpu.memory_space<hbm>>
        tpu.wait_dma2 semaphore(%arg21 : memref<!tpu.dma_semaphore, #tpu.memory_space<semaphore_mem>>) src(%arg14 : memref<32x12xf32, #tpu.memory_space<vmem>>) dst(%dma_wait3A_1064 : memref<32x12xf32, #tpu.memory_space<hbm>>)
      } else {
      }
      %dma_start3A_58 = arith.constant 0 : i32
      %dma_start3A_59 = arith.constant 0 : i32
      %dma_start3A_60 = tpu.memref_slice %arg12[%dma_start3A_58, %dma_start3A_59] : memref<32x512xf32, #tpu.memory_space<vmem>> -> memref<32x256xf32, #tpu.memory_space<vmem>>
      %dma_start3A_61 = arith.constant 0 : i32
      %dma_start3A_62 = arith.constant 0 : i32
      %dma_start3A_63 = tpu.memref_slice %arg2[%dma_start3A_61, %dma_start3A_62] : memref<10000x256xf32, #tpu.memory_space<hbm>> -> memref<10000x256xf32, #tpu.memory_space<hbm>>
      tpu.enqueue_indirect_dma source(%dma_start3A_63 : memref<10000x256xf32, #tpu.memory_space<hbm>>) target(%dma_start3A_60 : memref<32x256xf32, #tpu.memory_space<vmem>>) offsets(%arg8 : memref<32xi32, #tpu.memory_space<vmem>>) semaphore(%arg19 : memref<!tpu.dma_semaphore, #tpu.memory_space<semaphore_mem>>)
      %dma_start3A_64 = arith.constant 0 : i32
      %dma_start3A_65 = arith.constant 256 : i32
      %dma_start3A_66 = tpu.memref_slice %arg12[%dma_start3A_64, %dma_start3A_65] : memref<32x512xf32, #tpu.memory_space<vmem>> -> memref<32x256xf32, #tpu.memory_space<vmem>>
      %dma_start3A_67 = arith.constant 0 : i32
      %dma_start3A_68 = arith.constant 0 : i32
      %dma_start3A_69 = tpu.memref_slice %arg3[%dma_start3A_67, %dma_start3A_68] : memref<10000x256xf32, #tpu.memory_space<hbm>> -> memref<10000x256xf32, #tpu.memory_space<hbm>>
      tpu.enqueue_indirect_dma source(%dma_start3A_69 : memref<10000x256xf32, #tpu.memory_space<hbm>>) target(%dma_start3A_66 : memref<32x256xf32, #tpu.memory_space<vmem>>) offsets(%arg9 : memref<32xi32, #tpu.memory_space<vmem>>) semaphore(%arg19 : memref<!tpu.dma_semaphore, #tpu.memory_space<semaphore_mem>>)
      %dma_wait3A_70 = arith.constant 0 : i32
      %dma_wait3A_71 = tpu.memref_slice %arg5[%dma_wait3A_70] : memref<160000xi32, #tpu.memory_space<hbm>> -> memref<32xi32, #tpu.memory_space<hbm>>
      %dma_wait3A_72 = arith.constant 0 : i32
      %dma_wait3A_73 = tpu.memref_slice %arg5[%dma_wait3A_72] : memref<160000xi32, #tpu.memory_space<hbm>> -> memref<32xi32, #tpu.memory_space<hbm>>
      tpu.wait_dma2 semaphore(%arg18 : memref<!tpu.dma_semaphore, #tpu.memory_space<semaphore_mem>>) src(%dma_wait3A_73 : memref<32xi32, #tpu.memory_space<hbm>>) dst(%arg10 : memref<32xi32, #tpu.memory_space<vmem>>)
      %dma_wait3A_74 = arith.constant 0 : i32
      %dma_wait3A_75 = tpu.memref_slice %arg6[%dma_wait3A_74] : memref<160000xi32, #tpu.memory_space<hbm>> -> memref<32xi32, #tpu.memory_space<hbm>>
      %dma_wait3A_76 = arith.constant 0 : i32
      %dma_wait3A_77 = tpu.memref_slice %arg6[%dma_wait3A_76] : memref<160000xi32, #tpu.memory_space<hbm>> -> memref<32xi32, #tpu.memory_space<hbm>>
      tpu.wait_dma2 semaphore(%arg18 : memref<!tpu.dma_semaphore, #tpu.memory_space<semaphore_mem>>) src(%dma_wait3A_77 : memref<32xi32, #tpu.memory_space<hbm>>) dst(%arg11 : memref<32xi32, #tpu.memory_space<vmem>>)
      %gt3A_78 = arith.constant 0 : i32
      %gt3A_79 = arith.cmpi sgt, %scan3A_47, %gt3A_78 : i32
      %convert_element_type3A_80 = arith.extui %gt3A_79 : i1 to i32
      %cond3A_81 = arith.constant 0 : i32
      %cond3A_82 = arith.cmpi ne, %convert_element_type3A_80, %cond3A_81 : i32
      scf.if %cond3A_82 {
        %dma_wait3A_1053 = arith.constant 0 : i32
        %dma_wait3A_1054 = arith.constant 0 : i32
        %dma_wait3A_1055 = tpu.memref_slice %arg7[%dma_wait3A_1053, %dma_wait3A_1054] : memref<160000x524xf32, #tpu.memory_space<hbm>> -> memref<32x512xf32, #tpu.memory_space<hbm>>
        %dma_wait3A_1056 = arith.constant 0 : i32
        %dma_wait3A_1057 = arith.constant 0 : i32
        %dma_wait3A_1058 = tpu.memref_slice %arg7[%dma_wait3A_1056, %dma_wait3A_1057] : memref<160000x524xf32, #tpu.memory_space<hbm>> -> memref<32x512xf32, #tpu.memory_space<hbm>>
        tpu.wait_dma2 semaphore(%arg22 : memref<!tpu.dma_semaphore, #tpu.memory_space<semaphore_mem>>) src(%arg13 : memref<32x512xf32, #tpu.memory_space<vmem>>) dst(%dma_wait3A_1058 : memref<32x512xf32, #tpu.memory_space<hbm>>)
        %dma_wait3A_1059 = arith.constant 0 : i32
        %dma_wait3A_1060 = arith.constant 512 : i32
        %dma_wait3A_1061 = tpu.memref_slice %arg7[%dma_wait3A_1059, %dma_wait3A_1060] : memref<160000x524xf32, #tpu.memory_space<hbm>> -> memref<32x12xf32, #tpu.memory_space<hbm>>
        %dma_wait3A_1062 = arith.constant 0 : i32
        %dma_wait3A_1063 = arith.constant 512 : i32
        %dma_wait3A_1064 = tpu.memref_slice %arg7[%dma_wait3A_1062, %dma_wait3A_1063] : memref<160000x524xf32, #tpu.memory_space<hbm>> -> memref<32x12xf32, #tpu.memory_space<hbm>>
        tpu.wait_dma2 semaphore(%arg22 : memref<!tpu.dma_semaphore, #tpu.memory_space<semaphore_mem>>) src(%arg15 : memref<32x12xf32, #tpu.memory_space<vmem>>) dst(%dma_wait3A_1064 : memref<32x12xf32, #tpu.memory_space<hbm>>)
      } else {
      }
      %dma_start3A_83 = arith.constant 0 : i32
      %dma_start3A_84 = arith.constant 0 : i32
      %dma_start3A_85 = tpu.memref_slice %arg13[%dma_start3A_83, %dma_start3A_84] : memref<32x512xf32, #tpu.memory_space<vmem>> -> memref<32x256xf32, #tpu.memory_space<vmem>>
      %dma_start3A_86 = arith.constant 0 : i32
      %dma_start3A_87 = arith.constant 0 : i32
      %dma_start3A_88 = tpu.memref_slice %arg2[%dma_start3A_86, %dma_start3A_87] : memref<10000x256xf32, #tpu.memory_space<hbm>> -> memref<10000x256xf32, #tpu.memory_space<hbm>>
      tpu.enqueue_indirect_dma source(%dma_start3A_88 : memref<10000x256xf32, #tpu.memory_space<hbm>>) target(%dma_start3A_85 : memref<32x256xf32, #tpu.memory_space<vmem>>) offsets(%arg10 : memref<32xi32, #tpu.memory_space<vmem>>) semaphore(%arg20 : memref<!tpu.dma_semaphore, #tpu.memory_space<semaphore_mem>>)
      %dma_start3A_89 = arith.constant 0 : i32
      %dma_start3A_90 = arith.constant 256 : i32
      %dma_start3A_91 = tpu.memref_slice %arg13[%dma_start3A_89, %dma_start3A_90] : memref<32x512xf32, #tpu.memory_space<vmem>> -> memref<32x256xf32, #tpu.memory_space<vmem>>
      %dma_start3A_92 = arith.constant 0 : i32
      %dma_start3A_93 = arith.constant 0 : i32
      %dma_start3A_94 = tpu.memref_slice %arg3[%dma_start3A_92, %dma_start3A_93] : memref<10000x256xf32, #tpu.memory_space<hbm>> -> memref<10000x256xf32, #tpu.memory_space<hbm>>
      tpu.enqueue_indirect_dma source(%dma_start3A_94 : memref<10000x256xf32, #tpu.memory_space<hbm>>) target(%dma_start3A_91 : memref<32x256xf32, #tpu.memory_space<vmem>>) offsets(%arg11 : memref<32xi32, #tpu.memory_space<vmem>>) semaphore(%arg20 : memref<!tpu.dma_semaphore, #tpu.memory_space<semaphore_mem>>)
      %dma_wait3A_95 = arith.constant 0 : i32
      %dma_wait3A_96 = arith.constant 0 : i32
      %dma_wait3A_97 = tpu.memref_slice %arg12[%dma_wait3A_95, %dma_wait3A_96] : memref<32x512xf32, #tpu.memory_space<vmem>> -> memref<32x256xf32, #tpu.memory_space<vmem>>
      %dma_wait3A_98 = arith.constant 0 : i32
      %dma_wait3A_99 = arith.constant 0 : i32
      %dma_wait3A_100 = tpu.memref_slice %arg2[%dma_wait3A_98, %dma_wait3A_99] : memref<10000x256xf32, #tpu.memory_space<hbm>> -> memref<10000x256xf32, #tpu.memory_space<hbm>>
      tpu.wait_indirect_dma semaphore(%arg19 : memref<!tpu.dma_semaphore, #tpu.memory_space<semaphore_mem>>) src(%dma_wait3A_100 : memref<10000x256xf32, #tpu.memory_space<hbm>>) dst(%dma_wait3A_97 : memref<32x256xf32, #tpu.memory_space<vmem>>)
      %dma_wait3A_101 = arith.constant 0 : i32
      %dma_wait3A_102 = arith.constant 256 : i32
      %dma_wait3A_103 = tpu.memref_slice %arg12[%dma_wait3A_101, %dma_wait3A_102] : memref<32x512xf32, #tpu.memory_space<vmem>> -> memref<32x256xf32, #tpu.memory_space<vmem>>
      %dma_wait3A_104 = arith.constant 0 : i32
      %dma_wait3A_105 = arith.constant 0 : i32
      %dma_wait3A_106 = tpu.memref_slice %arg3[%dma_wait3A_104, %dma_wait3A_105] : memref<10000x256xf32, #tpu.memory_space<hbm>> -> memref<10000x256xf32, #tpu.memory_space<hbm>>
      tpu.wait_indirect_dma semaphore(%arg19 : memref<!tpu.dma_semaphore, #tpu.memory_space<semaphore_mem>>) src(%dma_wait3A_106 : memref<10000x256xf32, #tpu.memory_space<hbm>>) dst(%dma_wait3A_103 : memref<32x256xf32, #tpu.memory_space<vmem>>)
      %iota3A = tpu.iota {dimensions = array<i32: 0>} : vector<16xi32>
      %add3A_107 = arith.constant 0 : i32
      %add3A_108 = vector.broadcast %add3A_107 : i32 to vector<16xi32>
      %add3A_109 = arith.addi %iota3A, %add3A_108 : vector<16xi32>
      %get3A = arith.constant 0 : index
      %get3A_110 = tpu.vector_load %arg8[%get3A] {strides = array<i32>} : memref<32xi32, #tpu.memory_space<vmem>>, vector<16xi32>,
      %mul3A_111 = arith.constant 8 : i32
      %mul3A_112 = vector.broadcast %mul3A_111 : i32 to vector<16xi32>
      %mul3A_113 = arith.muli %get3A_110, %mul3A_112 : vector<16xi32>
      %get3A_114 = arith.constant 0 : index
      %get3A_115 = tpu.vector_load %arg9[%get3A_114] {strides = array<i32>} : memref<32xi32, #tpu.memory_space<vmem>>, vector<16xi32>,
      %mul3A_116 = arith.constant 8 : i32
      %mul3A_117 = vector.broadcast %mul3A_116 : i32 to vector<16xi32>
      %mul3A_118 = arith.muli %get3A_115, %mul3A_117 : vector<16xi32>
      %broadcast_in_dim3A = arith.constant 4 : i32
      %broadcast_in_dim3A_119 = vector.broadcast %broadcast_in_dim3A : i32 to vector<16xi32>
      %add3A_120 = arith.addi %mul3A_113, %broadcast_in_dim3A_119 : vector<16xi32>
      %gather3A = tpu.vector_load_idx %arg16[%add3A_120] : memref<80000xf32, #tpu.memory_space<vmem>>[vector<16xi32>], vector<16xf32>,
      %broadcast_in_dim3A_121 = arith.constant 5 : i32
      %broadcast_in_dim3A_122 = vector.broadcast %broadcast_in_dim3A_121 : i32 to vector<16xi32>
      %add3A_123 = arith.addi %mul3A_113, %broadcast_in_dim3A_122 : vector<16xi32>
      %gather3A_124 = tpu.vector_load_idx %arg16[%add3A_123] : memref<80000xf32, #tpu.memory_space<vmem>>[vector<16xi32>], vector<16xf32>,
      %broadcast_in_dim3A_125 = arith.constant 6 : i32
      %broadcast_in_dim3A_126 = vector.broadcast %broadcast_in_dim3A_125 : i32 to vector<16xi32>
      %add3A_127 = arith.addi %mul3A_113, %broadcast_in_dim3A_126 : vector<16xi32>
      %gather3A_128 = tpu.vector_load_idx %arg16[%add3A_127] : memref<80000xf32, #tpu.memory_space<vmem>>[vector<16xi32>], vector<16xf32>,
      %broadcast_in_dim3A_129 = arith.constant 7 : i32
      %broadcast_in_dim3A_130 = vector.broadcast %broadcast_in_dim3A_129 : i32 to vector<16xi32>
      %add3A_131 = arith.addi %mul3A_113, %broadcast_in_dim3A_130 : vector<16xi32>
      %gather3A_132 = tpu.vector_load_idx %arg16[%add3A_131] : memref<80000xf32, #tpu.memory_space<vmem>>[vector<16xi32>], vector<16xf32>,
      %broadcast_in_dim3A_133 = arith.constant 4 : i32
      %broadcast_in_dim3A_134 = vector.broadcast %broadcast_in_dim3A_133 : i32 to vector<16xi32>
      %add3A_135 = arith.addi %mul3A_118, %broadcast_in_dim3A_134 : vector<16xi32>
      %gather3A_136 = tpu.vector_load_idx %arg16[%add3A_135] : memref<80000xf32, #tpu.memory_space<vmem>>[vector<16xi32>], vector<16xf32>,
      %broadcast_in_dim3A_137 = arith.constant 5 : i32
      %broadcast_in_dim3A_138 = vector.broadcast %broadcast_in_dim3A_137 : i32 to vector<16xi32>
      %add3A_139 = arith.addi %mul3A_118, %broadcast_in_dim3A_138 : vector<16xi32>
      %gather3A_140 = tpu.vector_load_idx %arg16[%add3A_139] : memref<80000xf32, #tpu.memory_space<vmem>>[vector<16xi32>], vector<16xf32>,
      %broadcast_in_dim3A_141 = arith.constant 6 : i32
      %broadcast_in_dim3A_142 = vector.broadcast %broadcast_in_dim3A_141 : i32 to vector<16xi32>
      %add3A_143 = arith.addi %mul3A_118, %broadcast_in_dim3A_142 : vector<16xi32>
      %gather3A_144 = tpu.vector_load_idx %arg16[%add3A_143] : memref<80000xf32, #tpu.memory_space<vmem>>[vector<16xi32>], vector<16xf32>,
      %broadcast_in_dim3A_145 = arith.constant 7 : i32
      %broadcast_in_dim3A_146 = vector.broadcast %broadcast_in_dim3A_145 : i32 to vector<16xi32>
      %add3A_147 = arith.addi %mul3A_118, %broadcast_in_dim3A_146 : vector<16xi32>
      %gather3A_148 = tpu.vector_load_idx %arg16[%add3A_147] : memref<80000xf32, #tpu.memory_space<vmem>>[vector<16xi32>], vector<16xf32>,
      %broadcast_in_dim3A_149 = arith.constant 256 : i32
      %broadcast_in_dim3A_150 = vector.broadcast %broadcast_in_dim3A_149 : i32 to vector<16xi32>
      tpu.vector_store_idx %arg12[%add3A_109, %broadcast_in_dim3A_150], %gather3A : memref<32x512xf32, #tpu.memory_space<vmem>>[vector<16xi32>, vector<16xi32>], vector<16xf32>,
      %broadcast_in_dim3A_151 = arith.constant 257 : i32
      %broadcast_in_dim3A_152 = vector.broadcast %broadcast_in_dim3A_151 : i32 to vector<16xi32>
      tpu.vector_store_idx %arg12[%add3A_109, %broadcast_in_dim3A_152], %gather3A_124 : memref<32x512xf32, #tpu.memory_space<vmem>>[vector<16xi32>, vector<16xi32>], vector<16xf32>,
      %broadcast_in_dim3A_153 = arith.constant 258 : i32
      %broadcast_in_dim3A_154 = vector.broadcast %broadcast_in_dim3A_153 : i32 to vector<16xi32>
      tpu.vector_store_idx %arg12[%add3A_109, %broadcast_in_dim3A_154], %gather3A_128 : memref<32x512xf32, #tpu.memory_space<vmem>>[vector<16xi32>, vector<16xi32>], vector<16xf32>,
      %broadcast_in_dim3A_155 = arith.constant 259 : i32
      %broadcast_in_dim3A_156 = vector.broadcast %broadcast_in_dim3A_155 : i32 to vector<16xi32>
      tpu.vector_store_idx %arg12[%add3A_109, %broadcast_in_dim3A_156], %gather3A_132 : memref<32x512xf32, #tpu.memory_space<vmem>>[vector<16xi32>, vector<16xi32>], vector<16xf32>,
      %broadcast_in_dim3A_157 = arith.constant 0 : i32
      %broadcast_in_dim3A_158 = vector.broadcast %broadcast_in_dim3A_157 : i32 to vector<16xi32>
      %add3A_159 = arith.addi %mul3A_118, %broadcast_in_dim3A_158 : vector<16xi32>
      %gather3A_160 = tpu.vector_load_idx %arg16[%add3A_159] : memref<80000xf32, #tpu.memory_space<vmem>>[vector<16xi32>], vector<16xf32>,
      %broadcast_in_dim3A_161 = arith.constant 0 : i32
      %broadcast_in_dim3A_162 = vector.broadcast %broadcast_in_dim3A_161 : i32 to vector<16xi32>
      tpu.vector_store_idx %arg14[%add3A_109, %broadcast_in_dim3A_162], %gather3A_160 : memref<32x12xf32, #tpu.memory_space<vmem>>[vector<16xi32>, vector<16xi32>], vector<16xf32>,
      %broadcast_in_dim3A_163 = arith.constant 1 : i32
      %broadcast_in_dim3A_164 = vector.broadcast %broadcast_in_dim3A_163 : i32 to vector<16xi32>
      %add3A_165 = arith.addi %mul3A_118, %broadcast_in_dim3A_164 : vector<16xi32>
      %gather3A_166 = tpu.vector_load_idx %arg16[%add3A_165] : memref<80000xf32, #tpu.memory_space<vmem>>[vector<16xi32>], vector<16xf32>,
      %broadcast_in_dim3A_167 = arith.constant 1 : i32
      %broadcast_in_dim3A_168 = vector.broadcast %broadcast_in_dim3A_167 : i32 to vector<16xi32>
      tpu.vector_store_idx %arg14[%add3A_109, %broadcast_in_dim3A_168], %gather3A_166 : memref<32x12xf32, #tpu.memory_space<vmem>>[vector<16xi32>, vector<16xi32>], vector<16xf32>,
      %broadcast_in_dim3A_169 = arith.constant 2 : i32
      %broadcast_in_dim3A_170 = vector.broadcast %broadcast_in_dim3A_169 : i32 to vector<16xi32>
      %add3A_171 = arith.addi %mul3A_118, %broadcast_in_dim3A_170 : vector<16xi32>
      %gather3A_172 = tpu.vector_load_idx %arg16[%add3A_171] : memref<80000xf32, #tpu.memory_space<vmem>>[vector<16xi32>], vector<16xf32>,
      %broadcast_in_dim3A_173 = arith.constant 2 : i32
      %broadcast_in_dim3A_174 = vector.broadcast %broadcast_in_dim3A_173 : i32 to vector<16xi32>
      tpu.vector_store_idx %arg14[%add3A_109, %broadcast_in_dim3A_174], %gather3A_172 : memref<32x12xf32, #tpu.memory_space<vmem>>[vector<16xi32>, vector<16xi32>], vector<16xf32>,
      %broadcast_in_dim3A_175 = arith.constant 3 : i32
      %broadcast_in_dim3A_176 = vector.broadcast %broadcast_in_dim3A_175 : i32 to vector<16xi32>
      %add3A_177 = arith.addi %mul3A_118, %broadcast_in_dim3A_176 : vector<16xi32>
      %gather3A_178 = tpu.vector_load_idx %arg16[%add3A_177] : memref<80000xf32, #tpu.memory_space<vmem>>[vector<16xi32>], vector<16xf32>,
      %broadcast_in_dim3A_179 = arith.constant 3 : i32
      %broadcast_in_dim3A_180 = vector.broadcast %broadcast_in_dim3A_179 : i32 to vector<16xi32>
      tpu.vector_store_idx %arg14[%add3A_109, %broadcast_in_dim3A_180], %gather3A_178 : memref<32x12xf32, #tpu.memory_space<vmem>>[vector<16xi32>, vector<16xi32>], vector<16xf32>,
      %broadcast_in_dim3A_181 = arith.constant 4 : i32
      %broadcast_in_dim3A_182 = vector.broadcast %broadcast_in_dim3A_181 : i32 to vector<16xi32>
      tpu.vector_store_idx %arg14[%add3A_109, %broadcast_in_dim3A_182], %gather3A_136 : memref<32x12xf32, #tpu.memory_space<vmem>>[vector<16xi32>, vector<16xi32>], vector<16xf32>,
      %broadcast_in_dim3A_183 = arith.constant 5 : i32
      %broadcast_in_dim3A_184 = vector.broadcast %broadcast_in_dim3A_183 : i32 to vector<16xi32>
      tpu.vector_store_idx %arg14[%add3A_109, %broadcast_in_dim3A_184], %gather3A_140 : memref<32x12xf32, #tpu.memory_space<vmem>>[vector<16xi32>, vector<16xi32>], vector<16xf32>,
      %broadcast_in_dim3A_185 = arith.constant 6 : i32
      %broadcast_in_dim3A_186 = vector.broadcast %broadcast_in_dim3A_185 : i32 to vector<16xi32>
      tpu.vector_store_idx %arg14[%add3A_109, %broadcast_in_dim3A_186], %gather3A_144 : memref<32x12xf32, #tpu.memory_space<vmem>>[vector<16xi32>, vector<16xi32>], vector<16xf32>,
      %broadcast_in_dim3A_187 = arith.constant 7 : i32
      %broadcast_in_dim3A_188 = vector.broadcast %broadcast_in_dim3A_187 : i32 to vector<16xi32>
      tpu.vector_store_idx %arg14[%add3A_109, %broadcast_in_dim3A_188], %gather3A_148 : memref<32x12xf32, #tpu.memory_space<vmem>>[vector<16xi32>, vector<16xi32>], vector<16xf32>,
      %mul3A_189 = arith.constant 5.000000e-01 : f32
      %mul3A_190 = vector.broadcast %mul3A_189 : f32 to vector<16xf32>
      %mul3A_191 = arith.mulf %gather3A_128, %mul3A_190 : vector<16xf32>
      %add3A_192 = arith.addf %gather3A, %mul3A_191 : vector<16xf32>
      %sub3A = arith.subf %add3A_192, %gather3A_136 : vector<16xf32>
      %mul3A_193 = arith.constant 5.000000e-01 : f32
      %mul3A_194 = vector.broadcast %mul3A_193 : f32 to vector<16xf32>
      %mul3A_195 = arith.mulf %gather3A_144, %mul3A_194 : vector<16xf32>
      %sub3A_196 = arith.subf %sub3A, %mul3A_195 : vector<16xf32>
      %mul3A_197 = arith.constant 5.000000e-01 : f32
      %mul3A_198 = vector.broadcast %mul3A_197 : f32 to vector<16xf32>
      %mul3A_199 = arith.mulf %gather3A_132, %mul3A_198 : vector<16xf32>
      %add3A_200 = arith.addf %gather3A_124, %mul3A_199 : vector<16xf32>
      %sub3A_201 = arith.subf %add3A_200, %gather3A_140 : vector<16xf32>
      %mul3A_202 = arith.constant 5.000000e-01 : f32
      %mul3A_203 = vector.broadcast %mul3A_202 : f32 to vector<16xf32>
      %mul3A_204 = arith.mulf %gather3A_148, %mul3A_203 : vector<16xf32>
      %sub3A_205 = arith.subf %sub3A_201, %mul3A_204 : vector<16xf32>
      %mul3A_206 = arith.mulf %sub3A_196, %sub3A_196 : vector<16xf32>
      %mul3A_207 = arith.mulf %sub3A_205, %sub3A_205 : vector<16xf32>
      %add3A_208 = arith.addf %mul3A_206, %mul3A_207 : vector<16xf32>
      %bitcast3A = vector.bitcast %add3A_208 : vector<16xf32> to vector<16xi32>
      %shift_right_logical3A = arith.constant 1 : i32
      %shift_right_logical3A_209 = vector.broadcast %shift_right_logical3A : i32 to vector<16xi32>
      %shift_right_logical3A_210 = arith.shrui %bitcast3A, %shift_right_logical3A_209 : vector<16xi32>
      %sub3A_211 = arith.constant 1597463007 : i32
      %sub3A_212 = vector.broadcast %sub3A_211 : i32 to vector<16xi32>
      %sub3A_213 = arith.subi %sub3A_212, %shift_right_logical3A_210 : vector<16xi32>
      %bitcast3A_214 = vector.bitcast %sub3A_213 : vector<16xi32> to vector<16xf32>
      %mul3A_215 = arith.constant 5.000000e-01 : f32
      %mul3A_216 = vector.broadcast %mul3A_215 : f32 to vector<16xf32>
      %mul3A_217 = arith.mulf %mul3A_216, %add3A_208 : vector<16xf32>
      %mul3A_218 = arith.mulf %mul3A_217, %bitcast3A_214 : vector<16xf32>
      %mul3A_219 = arith.mulf %mul3A_218, %bitcast3A_214 : vector<16xf32>
      %sub3A_220 = arith.constant 1.500000e+00 : f32
      %sub3A_221 = vector.broadcast %sub3A_220 : f32 to vector<16xf32>
      %sub3A_222 = arith.subf %sub3A_221, %mul3A_219 : vector<16xf32>
      %mul3A_223 = arith.mulf %bitcast3A_214, %sub3A_222 : vector<16xf32>
      %mul3A_224 = arith.mulf %mul3A_217, %mul3A_223 : vector<16xf32>
      %mul3A_225 = arith.mulf %mul3A_224, %mul3A_223 : vector<16xf32>
      %sub3A_226 = arith.constant 1.500000e+00 : f32
      %sub3A_227 = vector.broadcast %sub3A_226 : f32 to vector<16xf32>
      %sub3A_228 = arith.subf %sub3A_227, %mul3A_225 : vector<16xf32>
      %mul3A_229 = arith.mulf %mul3A_223, %sub3A_228 : vector<16xf32>
      %mul3A_230 = arith.mulf %mul3A_217, %mul3A_229 : vector<16xf32>
      %mul3A_231 = arith.mulf %mul3A_230, %mul3A_229 : vector<16xf32>
      %sub3A_232 = arith.constant 1.500000e+00 : f32
      %sub3A_233 = vector.broadcast %sub3A_232 : f32 to vector<16xf32>
      %sub3A_234 = arith.subf %sub3A_233, %mul3A_231 : vector<16xf32>
      %mul3A_235 = arith.mulf %mul3A_229, %sub3A_234 : vector<16xf32>
      %mul3A_236 = arith.mulf %add3A_208, %mul3A_235 : vector<16xf32>
      %abs3A = math.absf %sub3A_196 : vector<16xf32>
      %abs3A_237 = math.absf %sub3A_205 : vector<16xf32>
      %min3A = arith.minimumf %abs3A, %abs3A_237 : vector<16xf32>
      %max3A = arith.maximumf %abs3A, %abs3A_237 : vector<16xf32>
      %max3A_238 = arith.constant 1.000000e-30 : f32
      %max3A_239 = vector.broadcast %max3A_238 : f32 to vector<16xf32>
      %max3A_240 = arith.maximumf %max3A, %max3A_239 : vector<16xf32>
      %div3A = arith.divf %min3A, %max3A_240 : vector<16xf32>
      %mul3A_241 = arith.mulf %div3A, %div3A : vector<16xf32>
      %mul3A_242 = arith.constant -1.172120e-02 : f32
      %mul3A_243 = vector.broadcast %mul3A_242 : f32 to vector<16xf32>
      %mul3A_244 = arith.mulf %mul3A_243, %mul3A_241 : vector<16xf32>
      %add3A_245 = arith.constant 0.0526533201 : f32
      %add3A_246 = vector.broadcast %add3A_245 : f32 to vector<16xf32>
      %add3A_247 = arith.addf %mul3A_244, %add3A_246 : vector<16xf32>
      %mul3A_248 = arith.mulf %add3A_247, %mul3A_241 : vector<16xf32>
      %add3A_249 = arith.constant -0.116432868 : f32
      %add3A_250 = vector.broadcast %add3A_249 : f32 to vector<16xf32>
      %add3A_251 = arith.addf %mul3A_248, %add3A_250 : vector<16xf32>
      %mul3A_252 = arith.mulf %add3A_251, %mul3A_241 : vector<16xf32>
      %add3A_253 = arith.constant 0.193543464 : f32
      %add3A_254 = vector.broadcast %add3A_253 : f32 to vector<16xf32>
      %add3A_255 = arith.addf %mul3A_252, %add3A_254 : vector<16xf32>
      %mul3A_256 = arith.mulf %add3A_255, %mul3A_241 : vector<16xf32>
      %add3A_257 = arith.constant -0.332623482 : f32
      %add3A_258 = vector.broadcast %add3A_257 : f32 to vector<16xf32>
      %add3A_259 = arith.addf %mul3A_256, %add3A_258 : vector<16xf32>
      %mul3A_260 = arith.mulf %add3A_259, %mul3A_241 : vector<16xf32>
      %add3A_261 = arith.constant 0.999977231 : f32
      %add3A_262 = vector.broadcast %add3A_261 : f32 to vector<16xf32>
      %add3A_263 = arith.addf %mul3A_260, %add3A_262 : vector<16xf32>
      %mul3A_264 = arith.mulf %div3A, %add3A_263 : vector<16xf32>
      %gt3A_265 = arith.cmpf ogt, %abs3A_237, %abs3A : vector<16xf32>
      %sub3A_266 = arith.constant 1.57079637 : f32
      %sub3A_267 = vector.broadcast %sub3A_266 : f32 to vector<16xf32>
      %sub3A_268 = arith.subf %sub3A_267, %mul3A_264 : vector<16xf32>
      %select_n3A = arith.select %gt3A_265, %sub3A_268, %mul3A_264 : vector<16xi1>, vector<16xf32>
      %broadcast_in_dim3A_269 = arith.constant 8 : i32
      %broadcast_in_dim3A_270 = vector.broadcast %broadcast_in_dim3A_269 : i32 to vector<16xi32>
      tpu.vector_store_idx %arg14[%add3A_109, %broadcast_in_dim3A_270], %mul3A_236 : memref<32x12xf32, #tpu.memory_space<vmem>>[vector<16xi32>, vector<16xi32>], vector<16xf32>,
      %sign3A = tpu.bitcast %sub3A_205 : vector<16xf32> -> vector<16xi32>
      %sign3A_271 = arith.constant -2147483648 : i32
      %sign3A_272 = vector.broadcast %sign3A_271 : i32 to vector<16xi32>
      %sign3A_273 = arith.andi %sign3A, %sign3A_272 : vector<16xi32>
      %sign3A_274 = arith.constant 1065353216 : i32
      %sign3A_275 = vector.broadcast %sign3A_274 : i32 to vector<16xi32>
      %sign3A_276 = arith.ori %sign3A_275, %sign3A_273 : vector<16xi32>
      %sign3A_277 = tpu.bitcast %sign3A_276 : vector<16xi32> -> vector<16xf32>
      %sign3A_278 = math.absf %sub3A_205 : vector<16xf32>
      %sign3A_279 = arith.constant 0.000000e+00 : f32
      %sign3A_280 = vector.broadcast %sign3A_279 : f32 to vector<16xf32>
      %sign3A_281 = arith.cmpf ogt, %sign3A_278, %sign3A_280 : vector<16xf32>
      %sign3A_282 = arith.select %sign3A_281, %sign3A_277, %sub3A_205 : vector<16xi1>, vector<16xf32>
      %mul3A_283 = arith.mulf %sign3A_282, %select_n3A : vector<16xf32>
      %broadcast_in_dim3A_284 = arith.constant 9 : i32
      %broadcast_in_dim3A_285 = vector.broadcast %broadcast_in_dim3A_284 : i32 to vector<16xi32>
      tpu.vector_store_idx %arg14[%add3A_109, %broadcast_in_dim3A_285], %mul3A_283 : memref<32x12xf32, #tpu.memory_space<vmem>>[vector<16xi32>, vector<16xi32>], vector<16xf32>,
      %sub3A_286 = arith.subf %gather3A_136, %gather3A : vector<16xf32>
      %sign3A_287 = tpu.bitcast %sub3A_286 : vector<16xf32> -> vector<16xi32>
      %sign3A_288 = arith.constant -2147483648 : i32
      %sign3A_289 = vector.broadcast %sign3A_288 : i32 to vector<16xi32>
      %sign3A_290 = arith.andi %sign3A_287, %sign3A_289 : vector<16xi32>
      %sign3A_291 = arith.constant 1065353216 : i32
      %sign3A_292 = vector.broadcast %sign3A_291 : i32 to vector<16xi32>
      %sign3A_293 = arith.ori %sign3A_292, %sign3A_290 : vector<16xi32>
      %sign3A_294 = tpu.bitcast %sign3A_293 : vector<16xi32> -> vector<16xf32>
      %sign3A_295 = math.absf %sub3A_286 : vector<16xf32>
      %sign3A_296 = arith.constant 0.000000e+00 : f32
      %sign3A_297 = vector.broadcast %sign3A_296 : f32 to vector<16xf32>
      %sign3A_298 = arith.cmpf ogt, %sign3A_295, %sign3A_297 : vector<16xf32>
      %sign3A_299 = arith.select %sign3A_298, %sign3A_294, %sub3A_286 : vector<16xi1>, vector<16xf32>
      %broadcast_in_dim3A_300 = arith.constant 10 : i32
      %broadcast_in_dim3A_301 = vector.broadcast %broadcast_in_dim3A_300 : i32 to vector<16xi32>
      tpu.vector_store_idx %arg14[%add3A_109, %broadcast_in_dim3A_301], %sign3A_299 : memref<32x12xf32, #tpu.memory_space<vmem>>[vector<16xi32>, vector<16xi32>], vector<16xf32>,
      %sub3A_302 = arith.subf %gather3A_140, %gather3A_124 : vector<16xf32>
      %sign3A_303 = tpu.bitcast %sub3A_302 : vector<16xf32> -> vector<16xi32>
      %sign3A_304 = arith.constant -2147483648 : i32
      %sign3A_305 = vector.broadcast %sign3A_304 : i32 to vector<16xi32>
      %sign3A_306 = arith.andi %sign3A_303, %sign3A_305 : vector<16xi32>
      %sign3A_307 = arith.constant 1065353216 : i32
      %sign3A_308 = vector.broadcast %sign3A_307 : i32 to vector<16xi32>
      %sign3A_309 = arith.ori %sign3A_308, %sign3A_306 : vector<16xi32>
      %sign3A_310 = tpu.bitcast %sign3A_309 : vector<16xi32> -> vector<16xf32>
      %sign3A_311 = math.absf %sub3A_302 : vector<16xf32>
      %sign3A_312 = arith.constant 0.000000e+00 : f32
      %sign3A_313 = vector.broadcast %sign3A_312 : f32 to vector<16xf32>
      %sign3A_314 = arith.cmpf ogt, %sign3A_311, %sign3A_313 : vector<16xf32>
      %sign3A_315 = arith.select %sign3A_314, %sign3A_310, %sub3A_302 : vector<16xi1>, vector<16xf32>
      %broadcast_in_dim3A_316 = arith.constant 11 : i32
      %broadcast_in_dim3A_317 = vector.broadcast %broadcast_in_dim3A_316 : i32 to vector<16xi32>
      tpu.vector_store_idx %arg14[%add3A_109, %broadcast_in_dim3A_317], %sign3A_315 : memref<32x12xf32, #tpu.memory_space<vmem>>[vector<16xi32>, vector<16xi32>], vector<16xf32>,
      %iota3A_318 = tpu.iota {dimensions = array<i32: 0>} : vector<16xi32>
      %add3A_319 = arith.constant 16 : i32
      %add3A_320 = vector.broadcast %add3A_319 : i32 to vector<16xi32>
      %add3A_321 = arith.addi %iota3A_318, %add3A_320 : vector<16xi32>
      %get3A_322 = arith.constant 16 : index
      %get3A_323 = tpu.vector_load %arg8[%get3A_322] {strides = array<i32>} : memref<32xi32, #tpu.memory_space<vmem>>, vector<16xi32>,
      %mul3A_324 = arith.constant 8 : i32
      %mul3A_325 = vector.broadcast %mul3A_324 : i32 to vector<16xi32>
      %mul3A_326 = arith.muli %get3A_323, %mul3A_325 : vector<16xi32>
      %get3A_327 = arith.constant 16 : index
      %get3A_328 = tpu.vector_load %arg9[%get3A_327] {strides = array<i32>} : memref<32xi32, #tpu.memory_space<vmem>>, vector<16xi32>,
      %mul3A_329 = arith.constant 8 : i32
      %mul3A_330 = vector.broadcast %mul3A_329 : i32 to vector<16xi32>
      %mul3A_331 = arith.muli %get3A_328, %mul3A_330 : vector<16xi32>
      %broadcast_in_dim3A_332 = arith.constant 4 : i32
      %broadcast_in_dim3A_333 = vector.broadcast %broadcast_in_dim3A_332 : i32 to vector<16xi32>
      %add3A_334 = arith.addi %mul3A_326, %broadcast_in_dim3A_333 : vector<16xi32>
      %gather3A_335 = tpu.vector_load_idx %arg16[%add3A_334] : memref<80000xf32, #tpu.memory_space<vmem>>[vector<16xi32>], vector<16xf32>,
      %broadcast_in_dim3A_336 = arith.constant 5 : i32
      %broadcast_in_dim3A_337 = vector.broadcast %broadcast_in_dim3A_336 : i32 to vector<16xi32>
      %add3A_338 = arith.addi %mul3A_326, %broadcast_in_dim3A_337 : vector<16xi32>
      %gather3A_339 = tpu.vector_load_idx %arg16[%add3A_338] : memref<80000xf32, #tpu.memory_space<vmem>>[vector<16xi32>], vector<16xf32>,
      %broadcast_in_dim3A_340 = arith.constant 6 : i32
      %broadcast_in_dim3A_341 = vector.broadcast %broadcast_in_dim3A_340 : i32 to vector<16xi32>
      %add3A_342 = arith.addi %mul3A_326, %broadcast_in_dim3A_341 : vector<16xi32>
      %gather3A_343 = tpu.vector_load_idx %arg16[%add3A_342] : memref<80000xf32, #tpu.memory_space<vmem>>[vector<16xi32>], vector<16xf32>,
      %broadcast_in_dim3A_344 = arith.constant 7 : i32
      %broadcast_in_dim3A_345 = vector.broadcast %broadcast_in_dim3A_344 : i32 to vector<16xi32>
      %add3A_346 = arith.addi %mul3A_326, %broadcast_in_dim3A_345 : vector<16xi32>
      %gather3A_347 = tpu.vector_load_idx %arg16[%add3A_346] : memref<80000xf32, #tpu.memory_space<vmem>>[vector<16xi32>], vector<16xf32>,
      %broadcast_in_dim3A_348 = arith.constant 4 : i32
      %broadcast_in_dim3A_349 = vector.broadcast %broadcast_in_dim3A_348 : i32 to vector<16xi32>
      %add3A_350 = arith.addi %mul3A_331, %broadcast_in_dim3A_349 : vector<16xi32>
      %gather3A_351 = tpu.vector_load_idx %arg16[%add3A_350] : memref<80000xf32, #tpu.memory_space<vmem>>[vector<16xi32>], vector<16xf32>,
      %broadcast_in_dim3A_352 = arith.constant 5 : i32
      %broadcast_in_dim3A_353 = vector.broadcast %broadcast_in_dim3A_352 : i32 to vector<16xi32>
      %add3A_354 = arith.addi %mul3A_331, %broadcast_in_dim3A_353 : vector<16xi32>
      %gather3A_355 = tpu.vector_load_idx %arg16[%add3A_354] : memref<80000xf32, #tpu.memory_space<vmem>>[vector<16xi32>], vector<16xf32>,
      %broadcast_in_dim3A_356 = arith.constant 6 : i32
      %broadcast_in_dim3A_357 = vector.broadcast %broadcast_in_dim3A_356 : i32 to vector<16xi32>
      %add3A_358 = arith.addi %mul3A_331, %broadcast_in_dim3A_357 : vector<16xi32>
      %gather3A_359 = tpu.vector_load_idx %arg16[%add3A_358] : memref<80000xf32, #tpu.memory_space<vmem>>[vector<16xi32>], vector<16xf32>,
      %broadcast_in_dim3A_360 = arith.constant 7 : i32
      %broadcast_in_dim3A_361 = vector.broadcast %broadcast_in_dim3A_360 : i32 to vector<16xi32>
      %add3A_362 = arith.addi %mul3A_331, %broadcast_in_dim3A_361 : vector<16xi32>
      %gather3A_363 = tpu.vector_load_idx %arg16[%add3A_362] : memref<80000xf32, #tpu.memory_space<vmem>>[vector<16xi32>], vector<16xf32>,
      %broadcast_in_dim3A_364 = arith.constant 256 : i32
      %broadcast_in_dim3A_365 = vector.broadcast %broadcast_in_dim3A_364 : i32 to vector<16xi32>
      tpu.vector_store_idx %arg12[%add3A_321, %broadcast_in_dim3A_365], %gather3A_335 : memref<32x512xf32, #tpu.memory_space<vmem>>[vector<16xi32>, vector<16xi32>], vector<16xf32>,
      %broadcast_in_dim3A_366 = arith.constant 257 : i32
      %broadcast_in_dim3A_367 = vector.broadcast %broadcast_in_dim3A_366 : i32 to vector<16xi32>
      tpu.vector_store_idx %arg12[%add3A_321, %broadcast_in_dim3A_367], %gather3A_339 : memref<32x512xf32, #tpu.memory_space<vmem>>[vector<16xi32>, vector<16xi32>], vector<16xf32>,
      %broadcast_in_dim3A_368 = arith.constant 258 : i32
      %broadcast_in_dim3A_369 = vector.broadcast %broadcast_in_dim3A_368 : i32 to vector<16xi32>
      tpu.vector_store_idx %arg12[%add3A_321, %broadcast_in_dim3A_369], %gather3A_343 : memref<32x512xf32, #tpu.memory_space<vmem>>[vector<16xi32>, vector<16xi32>], vector<16xf32>,
      %broadcast_in_dim3A_370 = arith.constant 259 : i32
      %broadcast_in_dim3A_371 = vector.broadcast %broadcast_in_dim3A_370 : i32 to vector<16xi32>
      tpu.vector_store_idx %arg12[%add3A_321, %broadcast_in_dim3A_371], %gather3A_347 : memref<32x512xf32, #tpu.memory_space<vmem>>[vector<16xi32>, vector<16xi32>], vector<16xf32>,
      %broadcast_in_dim3A_372 = arith.constant 0 : i32
      %broadcast_in_dim3A_373 = vector.broadcast %broadcast_in_dim3A_372 : i32 to vector<16xi32>
      %add3A_374 = arith.addi %mul3A_331, %broadcast_in_dim3A_373 : vector<16xi32>
      %gather3A_375 = tpu.vector_load_idx %arg16[%add3A_374] : memref<80000xf32, #tpu.memory_space<vmem>>[vector<16xi32>], vector<16xf32>,
      %broadcast_in_dim3A_376 = arith.constant 0 : i32
      %broadcast_in_dim3A_377 = vector.broadcast %broadcast_in_dim3A_376 : i32 to vector<16xi32>
      tpu.vector_store_idx %arg14[%add3A_321, %broadcast_in_dim3A_377], %gather3A_375 : memref<32x12xf32, #tpu.memory_space<vmem>>[vector<16xi32>, vector<16xi32>], vector<16xf32>,
      %broadcast_in_dim3A_378 = arith.constant 1 : i32
      %broadcast_in_dim3A_379 = vector.broadcast %broadcast_in_dim3A_378 : i32 to vector<16xi32>
      %add3A_380 = arith.addi %mul3A_331, %broadcast_in_dim3A_379 : vector<16xi32>
      %gather3A_381 = tpu.vector_load_idx %arg16[%add3A_380] : memref<80000xf32, #tpu.memory_space<vmem>>[vector<16xi32>], vector<16xf32>,
      %broadcast_in_dim3A_382 = arith.constant 1 : i32
      %broadcast_in_dim3A_383 = vector.broadcast %broadcast_in_dim3A_382 : i32 to vector<16xi32>
      tpu.vector_store_idx %arg14[%add3A_321, %broadcast_in_dim3A_383], %gather3A_381 : memref<32x12xf32, #tpu.memory_space<vmem>>[vector<16xi32>, vector<16xi32>], vector<16xf32>,
      %broadcast_in_dim3A_384 = arith.constant 2 : i32
      %broadcast_in_dim3A_385 = vector.broadcast %broadcast_in_dim3A_384 : i32 to vector<16xi32>
      %add3A_386 = arith.addi %mul3A_331, %broadcast_in_dim3A_385 : vector<16xi32>
      %gather3A_387 = tpu.vector_load_idx %arg16[%add3A_386] : memref<80000xf32, #tpu.memory_space<vmem>>[vector<16xi32>], vector<16xf32>,
      %broadcast_in_dim3A_388 = arith.constant 2 : i32
      %broadcast_in_dim3A_389 = vector.broadcast %broadcast_in_dim3A_388 : i32 to vector<16xi32>
      tpu.vector_store_idx %arg14[%add3A_321, %broadcast_in_dim3A_389], %gather3A_387 : memref<32x12xf32, #tpu.memory_space<vmem>>[vector<16xi32>, vector<16xi32>], vector<16xf32>,
      %broadcast_in_dim3A_390 = arith.constant 3 : i32
      %broadcast_in_dim3A_391 = vector.broadcast %broadcast_in_dim3A_390 : i32 to vector<16xi32>
      %add3A_392 = arith.addi %mul3A_331, %broadcast_in_dim3A_391 : vector<16xi32>
      %gather3A_393 = tpu.vector_load_idx %arg16[%add3A_392] : memref<80000xf32, #tpu.memory_space<vmem>>[vector<16xi32>], vector<16xf32>,
      %broadcast_in_dim3A_394 = arith.constant 3 : i32
      %broadcast_in_dim3A_395 = vector.broadcast %broadcast_in_dim3A_394 : i32 to vector<16xi32>
      tpu.vector_store_idx %arg14[%add3A_321, %broadcast_in_dim3A_395], %gather3A_393 : memref<32x12xf32, #tpu.memory_space<vmem>>[vector<16xi32>, vector<16xi32>], vector<16xf32>,
      %broadcast_in_dim3A_396 = arith.constant 4 : i32
      %broadcast_in_dim3A_397 = vector.broadcast %broadcast_in_dim3A_396 : i32 to vector<16xi32>
      tpu.vector_store_idx %arg14[%add3A_321, %broadcast_in_dim3A_397], %gather3A_351 : memref<32x12xf32, #tpu.memory_space<vmem>>[vector<16xi32>, vector<16xi32>], vector<16xf32>,
      %broadcast_in_dim3A_398 = arith.constant 5 : i32
      %broadcast_in_dim3A_399 = vector.broadcast %broadcast_in_dim3A_398 : i32 to vector<16xi32>
      tpu.vector_store_idx %arg14[%add3A_321, %broadcast_in_dim3A_399], %gather3A_355 : memref<32x12xf32, #tpu.memory_space<vmem>>[vector<16xi32>, vector<16xi32>], vector<16xf32>,
      %broadcast_in_dim3A_400 = arith.constant 6 : i32
      %broadcast_in_dim3A_401 = vector.broadcast %broadcast_in_dim3A_400 : i32 to vector<16xi32>
      tpu.vector_store_idx %arg14[%add3A_321, %broadcast_in_dim3A_401], %gather3A_359 : memref<32x12xf32, #tpu.memory_space<vmem>>[vector<16xi32>, vector<16xi32>], vector<16xf32>,
      %broadcast_in_dim3A_402 = arith.constant 7 : i32
      %broadcast_in_dim3A_403 = vector.broadcast %broadcast_in_dim3A_402 : i32 to vector<16xi32>
      tpu.vector_store_idx %arg14[%add3A_321, %broadcast_in_dim3A_403], %gather3A_363 : memref<32x12xf32, #tpu.memory_space<vmem>>[vector<16xi32>, vector<16xi32>], vector<16xf32>,
      %mul3A_404 = arith.constant 5.000000e-01 : f32
      %mul3A_405 = vector.broadcast %mul3A_404 : f32 to vector<16xf32>
      %mul3A_406 = arith.mulf %gather3A_343, %mul3A_405 : vector<16xf32>
      %add3A_407 = arith.addf %gather3A_335, %mul3A_406 : vector<16xf32>
      %sub3A_408 = arith.subf %add3A_407, %gather3A_351 : vector<16xf32>
      %mul3A_409 = arith.constant 5.000000e-01 : f32
      %mul3A_410 = vector.broadcast %mul3A_409 : f32 to vector<16xf32>
      %mul3A_411 = arith.mulf %gather3A_359, %mul3A_410 : vector<16xf32>
      %sub3A_412 = arith.subf %sub3A_408, %mul3A_411 : vector<16xf32>
      %mul3A_413 = arith.constant 5.000000e-01 : f32
      %mul3A_414 = vector.broadcast %mul3A_413 : f32 to vector<16xf32>
      %mul3A_415 = arith.mulf %gather3A_347, %mul3A_414 : vector<16xf32>
      %add3A_416 = arith.addf %gather3A_339, %mul3A_415 : vector<16xf32>
      %sub3A_417 = arith.subf %add3A_416, %gather3A_355 : vector<16xf32>
      %mul3A_418 = arith.constant 5.000000e-01 : f32
      %mul3A_419 = vector.broadcast %mul3A_418 : f32 to vector<16xf32>
      %mul3A_420 = arith.mulf %gather3A_363, %mul3A_419 : vector<16xf32>
      %sub3A_421 = arith.subf %sub3A_417, %mul3A_420 : vector<16xf32>
      %mul3A_422 = arith.mulf %sub3A_412, %sub3A_412 : vector<16xf32>
      %mul3A_423 = arith.mulf %sub3A_421, %sub3A_421 : vector<16xf32>
      %add3A_424 = arith.addf %mul3A_422, %mul3A_423 : vector<16xf32>
      %bitcast3A_425 = vector.bitcast %add3A_424 : vector<16xf32> to vector<16xi32>
      %shift_right_logical3A_426 = arith.constant 1 : i32
      %shift_right_logical3A_427 = vector.broadcast %shift_right_logical3A_426 : i32 to vector<16xi32>
      %shift_right_logical3A_428 = arith.shrui %bitcast3A_425, %shift_right_logical3A_427 : vector<16xi32>
      %sub3A_429 = arith.constant 1597463007 : i32
      %sub3A_430 = vector.broadcast %sub3A_429 : i32 to vector<16xi32>
      %sub3A_431 = arith.subi %sub3A_430, %shift_right_logical3A_428 : vector<16xi32>
      %bitcast3A_432 = vector.bitcast %sub3A_431 : vector<16xi32> to vector<16xf32>
      %mul3A_433 = arith.constant 5.000000e-01 : f32
      %mul3A_434 = vector.broadcast %mul3A_433 : f32 to vector<16xf32>
      %mul3A_435 = arith.mulf %mul3A_434, %add3A_424 : vector<16xf32>
      %mul3A_436 = arith.mulf %mul3A_435, %bitcast3A_432 : vector<16xf32>
      %mul3A_437 = arith.mulf %mul3A_436, %bitcast3A_432 : vector<16xf32>
      %sub3A_438 = arith.constant 1.500000e+00 : f32
      %sub3A_439 = vector.broadcast %sub3A_438 : f32 to vector<16xf32>
      %sub3A_440 = arith.subf %sub3A_439, %mul3A_437 : vector<16xf32>
      %mul3A_441 = arith.mulf %bitcast3A_432, %sub3A_440 : vector<16xf32>
      %mul3A_442 = arith.mulf %mul3A_435, %mul3A_441 : vector<16xf32>
      %mul3A_443 = arith.mulf %mul3A_442, %mul3A_441 : vector<16xf32>
      %sub3A_444 = arith.constant 1.500000e+00 : f32
      %sub3A_445 = vector.broadcast %sub3A_444 : f32 to vector<16xf32>
      %sub3A_446 = arith.subf %sub3A_445, %mul3A_443 : vector<16xf32>
      %mul3A_447 = arith.mulf %mul3A_441, %sub3A_446 : vector<16xf32>
      %mul3A_448 = arith.mulf %mul3A_435, %mul3A_447 : vector<16xf32>
      %mul3A_449 = arith.mulf %mul3A_448, %mul3A_447 : vector<16xf32>
      %sub3A_450 = arith.constant 1.500000e+00 : f32
      %sub3A_451 = vector.broadcast %sub3A_450 : f32 to vector<16xf32>
      %sub3A_452 = arith.subf %sub3A_451, %mul3A_449 : vector<16xf32>
      %mul3A_453 = arith.mulf %mul3A_447, %sub3A_452 : vector<16xf32>
      %mul3A_454 = arith.mulf %add3A_424, %mul3A_453 : vector<16xf32>
      %abs3A_455 = math.absf %sub3A_412 : vector<16xf32>
      %abs3A_456 = math.absf %sub3A_421 : vector<16xf32>
      %min3A_457 = arith.minimumf %abs3A_455, %abs3A_456 : vector<16xf32>
      %max3A_458 = arith.maximumf %abs3A_455, %abs3A_456 : vector<16xf32>
      %max3A_459 = arith.constant 1.000000e-30 : f32
      %max3A_460 = vector.broadcast %max3A_459 : f32 to vector<16xf32>
      %max3A_461 = arith.maximumf %max3A_458, %max3A_460 : vector<16xf32>
      %div3A_462 = arith.divf %min3A_457, %max3A_461 : vector<16xf32>
      %mul3A_463 = arith.mulf %div3A_462, %div3A_462 : vector<16xf32>
      %mul3A_464 = arith.constant -1.172120e-02 : f32
      %mul3A_465 = vector.broadcast %mul3A_464 : f32 to vector<16xf32>
      %mul3A_466 = arith.mulf %mul3A_465, %mul3A_463 : vector<16xf32>
      %add3A_467 = arith.constant 0.0526533201 : f32
      %add3A_468 = vector.broadcast %add3A_467 : f32 to vector<16xf32>
      %add3A_469 = arith.addf %mul3A_466, %add3A_468 : vector<16xf32>
      %mul3A_470 = arith.mulf %add3A_469, %mul3A_463 : vector<16xf32>
      %add3A_471 = arith.constant -0.116432868 : f32
      %add3A_472 = vector.broadcast %add3A_471 : f32 to vector<16xf32>
      %add3A_473 = arith.addf %mul3A_470, %add3A_472 : vector<16xf32>
      %mul3A_474 = arith.mulf %add3A_473, %mul3A_463 : vector<16xf32>
      %add3A_475 = arith.constant 0.193543464 : f32
      %add3A_476 = vector.broadcast %add3A_475 : f32 to vector<16xf32>
      %add3A_477 = arith.addf %mul3A_474, %add3A_476 : vector<16xf32>
      %mul3A_478 = arith.mulf %add3A_477, %mul3A_463 : vector<16xf32>
      %add3A_479 = arith.constant -0.332623482 : f32
      %add3A_480 = vector.broadcast %add3A_479 : f32 to vector<16xf32>
      %add3A_481 = arith.addf %mul3A_478, %add3A_480 : vector<16xf32>
      %mul3A_482 = arith.mulf %add3A_481, %mul3A_463 : vector<16xf32>
      %add3A_483 = arith.constant 0.999977231 : f32
      %add3A_484 = vector.broadcast %add3A_483 : f32 to vector<16xf32>
      %add3A_485 = arith.addf %mul3A_482, %add3A_484 : vector<16xf32>
      %mul3A_486 = arith.mulf %div3A_462, %add3A_485 : vector<16xf32>
      %gt3A_487 = arith.cmpf ogt, %abs3A_456, %abs3A_455 : vector<16xf32>
      %sub3A_488 = arith.constant 1.57079637 : f32
      %sub3A_489 = vector.broadcast %sub3A_488 : f32 to vector<16xf32>
      %sub3A_490 = arith.subf %sub3A_489, %mul3A_486 : vector<16xf32>
      %select_n3A_491 = arith.select %gt3A_487, %sub3A_490, %mul3A_486 : vector<16xi1>, vector<16xf32>
      %broadcast_in_dim3A_492 = arith.constant 8 : i32
      %broadcast_in_dim3A_493 = vector.broadcast %broadcast_in_dim3A_492 : i32 to vector<16xi32>
      tpu.vector_store_idx %arg14[%add3A_321, %broadcast_in_dim3A_493], %mul3A_454 : memref<32x12xf32, #tpu.memory_space<vmem>>[vector<16xi32>, vector<16xi32>], vector<16xf32>,
      %sign3A_494 = tpu.bitcast %sub3A_421 : vector<16xf32> -> vector<16xi32>
      %sign3A_495 = arith.constant -2147483648 : i32
      %sign3A_496 = vector.broadcast %sign3A_495 : i32 to vector<16xi32>
      %sign3A_497 = arith.andi %sign3A_494, %sign3A_496 : vector<16xi32>
      %sign3A_498 = arith.constant 1065353216 : i32
      %sign3A_499 = vector.broadcast %sign3A_498 : i32 to vector<16xi32>
      %sign3A_500 = arith.ori %sign3A_499, %sign3A_497 : vector<16xi32>
      %sign3A_501 = tpu.bitcast %sign3A_500 : vector<16xi32> -> vector<16xf32>
      %sign3A_502 = math.absf %sub3A_421 : vector<16xf32>
      %sign3A_503 = arith.constant 0.000000e+00 : f32
      %sign3A_504 = vector.broadcast %sign3A_503 : f32 to vector<16xf32>
      %sign3A_505 = arith.cmpf ogt, %sign3A_502, %sign3A_504 : vector<16xf32>
      %sign3A_506 = arith.select %sign3A_505, %sign3A_501, %sub3A_421 : vector<16xi1>, vector<16xf32>
      %mul3A_507 = arith.mulf %sign3A_506, %select_n3A_491 : vector<16xf32>
      %broadcast_in_dim3A_508 = arith.constant 9 : i32
      %broadcast_in_dim3A_509 = vector.broadcast %broadcast_in_dim3A_508 : i32 to vector<16xi32>
      tpu.vector_store_idx %arg14[%add3A_321, %broadcast_in_dim3A_509], %mul3A_507 : memref<32x12xf32, #tpu.memory_space<vmem>>[vector<16xi32>, vector<16xi32>], vector<16xf32>,
      %sub3A_510 = arith.subf %gather3A_351, %gather3A_335 : vector<16xf32>
      %sign3A_511 = tpu.bitcast %sub3A_510 : vector<16xf32> -> vector<16xi32>
      %sign3A_512 = arith.constant -2147483648 : i32
      %sign3A_513 = vector.broadcast %sign3A_512 : i32 to vector<16xi32>
      %sign3A_514 = arith.andi %sign3A_511, %sign3A_513 : vector<16xi32>
      %sign3A_515 = arith.constant 1065353216 : i32
      %sign3A_516 = vector.broadcast %sign3A_515 : i32 to vector<16xi32>
      %sign3A_517 = arith.ori %sign3A_516, %sign3A_514 : vector<16xi32>
      %sign3A_518 = tpu.bitcast %sign3A_517 : vector<16xi32> -> vector<16xf32>
      %sign3A_519 = math.absf %sub3A_510 : vector<16xf32>
      %sign3A_520 = arith.constant 0.000000e+00 : f32
      %sign3A_521 = vector.broadcast %sign3A_520 : f32 to vector<16xf32>
      %sign3A_522 = arith.cmpf ogt, %sign3A_519, %sign3A_521 : vector<16xf32>
      %sign3A_523 = arith.select %sign3A_522, %sign3A_518, %sub3A_510 : vector<16xi1>, vector<16xf32>
      %broadcast_in_dim3A_524 = arith.constant 10 : i32
      %broadcast_in_dim3A_525 = vector.broadcast %broadcast_in_dim3A_524 : i32 to vector<16xi32>
      tpu.vector_store_idx %arg14[%add3A_321, %broadcast_in_dim3A_525], %sign3A_523 : memref<32x12xf32, #tpu.memory_space<vmem>>[vector<16xi32>, vector<16xi32>], vector<16xf32>,
      %sub3A_526 = arith.subf %gather3A_355, %gather3A_339 : vector<16xf32>
      %sign3A_527 = tpu.bitcast %sub3A_526 : vector<16xf32> -> vector<16xi32>
      %sign3A_528 = arith.constant -2147483648 : i32
      %sign3A_529 = vector.broadcast %sign3A_528 : i32 to vector<16xi32>
      %sign3A_530 = arith.andi %sign3A_527, %sign3A_529 : vector<16xi32>
      %sign3A_531 = arith.constant 1065353216 : i32
      %sign3A_532 = vector.broadcast %sign3A_531 : i32 to vector<16xi32>
      %sign3A_533 = arith.ori %sign3A_532, %sign3A_530 : vector<16xi32>
      %sign3A_534 = tpu.bitcast %sign3A_533 : vector<16xi32> -> vector<16xf32>
      %sign3A_535 = math.absf %sub3A_526 : vector<16xf32>
      %sign3A_536 = arith.constant 0.000000e+00 : f32
      %sign3A_537 = vector.broadcast %sign3A_536 : f32 to vector<16xf32>
      %sign3A_538 = arith.cmpf ogt, %sign3A_535, %sign3A_537 : vector<16xf32>
      %sign3A_539 = arith.select %sign3A_538, %sign3A_534, %sub3A_526 : vector<16xi1>, vector<16xf32>
      %broadcast_in_dim3A_540 = arith.constant 11 : i32
      %broadcast_in_dim3A_541 = vector.broadcast %broadcast_in_dim3A_540 : i32 to vector<16xi32>
      tpu.vector_store_idx %arg14[%add3A_321, %broadcast_in_dim3A_541], %sign3A_539 : memref<32x12xf32, #tpu.memory_space<vmem>>[vector<16xi32>, vector<16xi32>], vector<16xf32>,
      %mul3A_542 = arith.constant 2 : i32
      %mul3A_543 = arith.muli %mul3A_542, %scan3A_47 : i32
      %add3A_544 = arith.constant 0 : i32
      %add3A_545 = arith.addi %mul3A_543, %add3A_544 : i32
      %mul3A_546 = arith.constant 32 : i32
      %mul3A_547 = arith.muli %add3A_545, %mul3A_546 : i32
      %add3A_548 = arith.addi %add3A, %mul3A_547 : i32
      %rem3A_549 = arith.constant 5000 : i32
      %rem3A_550 = arith.remsi %add3A_548, %rem3A_549 : i32
      %mul3A_551 = arith.constant 32 : i32
      %mul3A_552 = arith.muli %rem3A_550, %mul3A_551 : i32
      %dma_start3A_553 = arith.constant 0 : i32
      %dma_start3A_554 = tpu.memref_slice %arg7[%mul3A_552, %dma_start3A_553] : memref<160000x524xf32, #tpu.memory_space<hbm>> -> memref<32x512xf32, #tpu.memory_space<hbm>>
      %dma_start3A_555 = arith.constant 0 : i32
      %dma_start3A_556 = tpu.memref_slice %arg7[%mul3A_552, %dma_start3A_555] : memref<160000x524xf32, #tpu.memory_space<hbm>> -> memref<32x512xf32, #tpu.memory_space<hbm>>
      tpu.enqueue_dma source(%arg12 : memref<32x512xf32, #tpu.memory_space<vmem>>) target(%dma_start3A_556 : memref<32x512xf32, #tpu.memory_space<hbm>>) target_semaphore(%arg21 : memref<!tpu.dma_semaphore, #tpu.memory_space<semaphore_mem>>)
      %dma_start3A_557 = arith.constant 512 : i32
      %dma_start3A_558 = tpu.memref_slice %arg7[%mul3A_552, %dma_start3A_557] : memref<160000x524xf32, #tpu.memory_space<hbm>> -> memref<32x12xf32, #tpu.memory_space<hbm>>
      %dma_start3A_559 = arith.constant 512 : i32
      %dma_start3A_560 = tpu.memref_slice %arg7[%mul3A_552, %dma_start3A_559] : memref<160000x524xf32, #tpu.memory_space<hbm>> -> memref<32x12xf32, #tpu.memory_space<hbm>>
      tpu.enqueue_dma source(%arg14 : memref<32x12xf32, #tpu.memory_space<vmem>>) target(%dma_start3A_560 : memref<32x12xf32, #tpu.memory_space<hbm>>) target_semaphore(%arg21 : memref<!tpu.dma_semaphore, #tpu.memory_space<semaphore_mem>>)
      %add3A_561 = arith.constant 1 : i32
      %add3A_562 = arith.addi %scan3A_47, %add3A_561 : i32
      %lt3A = arith.constant 79 : i32
      %lt3A_563 = arith.cmpi slt, %add3A_562, %lt3A : i32
      %convert_element_type3A_564 = arith.extui %lt3A_563 : i1 to i32
      %cond3A_565 = arith.constant 0 : i32
      %cond3A_566 = arith.cmpi ne, %convert_element_type3A_564, %cond3A_565 : i32
      scf.if %cond3A_566 {
        %add3A_1053 = arith.constant 1 : i32
        %add3A_1054 = arith.addi %scan3A_47, %add3A_1053 : i32
        %mul3A_1055 = arith.constant 2 : i32
        %mul3A_1056 = arith.muli %mul3A_1055, %add3A_1054 : i32
        %add3A_1057 = arith.constant 0 : i32
        %add3A_1058 = arith.addi %mul3A_1056, %add3A_1057 : i32
        %mul3A_1059 = arith.constant 32 : i32
        %mul3A_1060 = arith.muli %add3A_1058, %mul3A_1059 : i32
        %add3A_1061 = arith.addi %add3A, %mul3A_1060 : i32
        %rem3A_1062 = arith.constant 5000 : i32
        %rem3A_1063 = arith.remsi %add3A_1061, %rem3A_1062 : i32
        %mul3A_1064 = arith.constant 32 : i32
        %mul3A_1065 = arith.muli %rem3A_1063, %mul3A_1064 : i32
        %dma_start3A_1066 = tpu.memref_slice %arg5[%mul3A_1065] : memref<160000xi32, #tpu.memory_space<hbm>> -> memref<32xi32, #tpu.memory_space<hbm>>
        %dma_start3A_1067 = tpu.memref_slice %arg5[%mul3A_1065] : memref<160000xi32, #tpu.memory_space<hbm>> -> memref<32xi32, #tpu.memory_space<hbm>>
        tpu.enqueue_dma source(%dma_start3A_1067 : memref<32xi32, #tpu.memory_space<hbm>>) target(%arg8 : memref<32xi32, #tpu.memory_space<vmem>>) target_semaphore(%arg17 : memref<!tpu.dma_semaphore, #tpu.memory_space<semaphore_mem>>)
        %dma_start3A_1068 = tpu.memref_slice %arg6[%mul3A_1065] : memref<160000xi32, #tpu.memory_space<hbm>> -> memref<32xi32, #tpu.memory_space<hbm>>
        %dma_start3A_1069 = tpu.memref_slice %arg6[%mul3A_1065] : memref<160000xi32, #tpu.memory_space<hbm>> -> memref<32xi32, #tpu.memory_space<hbm>>
        tpu.enqueue_dma source(%dma_start3A_1069 : memref<32xi32, #tpu.memory_space<hbm>>) target(%arg9 : memref<32xi32, #tpu.memory_space<vmem>>) target_semaphore(%arg17 : memref<!tpu.dma_semaphore, #tpu.memory_space<semaphore_mem>>)
      } else {
      }
      %dma_wait3A_567 = arith.constant 0 : i32
      %dma_wait3A_568 = arith.constant 0 : i32
      %dma_wait3A_569 = tpu.memref_slice %arg13[%dma_wait3A_567, %dma_wait3A_568] : memref<32x512xf32, #tpu.memory_space<vmem>> -> memref<32x256xf32, #tpu.memory_space<vmem>>
      %dma_wait3A_570 = arith.constant 0 : i32
      %dma_wait3A_571 = arith.constant 0 : i32
      %dma_wait3A_572 = tpu.memref_slice %arg2[%dma_wait3A_570, %dma_wait3A_571] : memref<10000x256xf32, #tpu.memory_space<hbm>> -> memref<10000x256xf32, #tpu.memory_space<hbm>>
      tpu.wait_indirect_dma semaphore(%arg20 : memref<!tpu.dma_semaphore, #tpu.memory_space<semaphore_mem>>) src(%dma_wait3A_572 : memref<10000x256xf32, #tpu.memory_space<hbm>>) dst(%dma_wait3A_569 : memref<32x256xf32, #tpu.memory_space<vmem>>)
      %dma_wait3A_573 = arith.constant 0 : i32
      %dma_wait3A_574 = arith.constant 256 : i32
      %dma_wait3A_575 = tpu.memref_slice %arg13[%dma_wait3A_573, %dma_wait3A_574] : memref<32x512xf32, #tpu.memory_space<vmem>> -> memref<32x256xf32, #tpu.memory_space<vmem>>
      %dma_wait3A_576 = arith.constant 0 : i32
      %dma_wait3A_577 = arith.constant 0 : i32
      %dma_wait3A_578 = tpu.memref_slice %arg3[%dma_wait3A_576, %dma_wait3A_577] : memref<10000x256xf32, #tpu.memory_space<hbm>> -> memref<10000x256xf32, #tpu.memory_space<hbm>>
      tpu.wait_indirect_dma semaphore(%arg20 : memref<!tpu.dma_semaphore, #tpu.memory_space<semaphore_mem>>) src(%dma_wait3A_578 : memref<10000x256xf32, #tpu.memory_space<hbm>>) dst(%dma_wait3A_575 : memref<32x256xf32, #tpu.memory_space<vmem>>)
      %iota3A_579 = tpu.iota {dimensions = array<i32: 0>} : vector<16xi32>
      %add3A_580 = arith.constant 0 : i32
      %add3A_581 = vector.broadcast %add3A_580 : i32 to vector<16xi32>
      %add3A_582 = arith.addi %iota3A_579, %add3A_581 : vector<16xi32>
      %get3A_583 = arith.constant 0 : index
      %get3A_584 = tpu.vector_load %arg10[%get3A_583] {strides = array<i32>} : memref<32xi32, #tpu.memory_space<vmem>>, vector<16xi32>,
      %mul3A_585 = arith.constant 8 : i32
      %mul3A_586 = vector.broadcast %mul3A_585 : i32 to vector<16xi32>
      %mul3A_587 = arith.muli %get3A_584, %mul3A_586 : vector<16xi32>
      %get3A_588 = arith.constant 0 : index
      %get3A_589 = tpu.vector_load %arg11[%get3A_588] {strides = array<i32>} : memref<32xi32, #tpu.memory_space<vmem>>, vector<16xi32>,
      %mul3A_590 = arith.constant 8 : i32
      %mul3A_591 = vector.broadcast %mul3A_590 : i32 to vector<16xi32>
      %mul3A_592 = arith.muli %get3A_589, %mul3A_591 : vector<16xi32>
      %broadcast_in_dim3A_593 = arith.constant 4 : i32
      %broadcast_in_dim3A_594 = vector.broadcast %broadcast_in_dim3A_593 : i32 to vector<16xi32>
      %add3A_595 = arith.addi %mul3A_587, %broadcast_in_dim3A_594 : vector<16xi32>
      %gather3A_596 = tpu.vector_load_idx %arg16[%add3A_595] : memref<80000xf32, #tpu.memory_space<vmem>>[vector<16xi32>], vector<16xf32>,
      %broadcast_in_dim3A_597 = arith.constant 5 : i32
      %broadcast_in_dim3A_598 = vector.broadcast %broadcast_in_dim3A_597 : i32 to vector<16xi32>
      %add3A_599 = arith.addi %mul3A_587, %broadcast_in_dim3A_598 : vector<16xi32>
      %gather3A_600 = tpu.vector_load_idx %arg16[%add3A_599] : memref<80000xf32, #tpu.memory_space<vmem>>[vector<16xi32>], vector<16xf32>,
      %broadcast_in_dim3A_601 = arith.constant 6 : i32
      %broadcast_in_dim3A_602 = vector.broadcast %broadcast_in_dim3A_601 : i32 to vector<16xi32>
      %add3A_603 = arith.addi %mul3A_587, %broadcast_in_dim3A_602 : vector<16xi32>
      %gather3A_604 = tpu.vector_load_idx %arg16[%add3A_603] : memref<80000xf32, #tpu.memory_space<vmem>>[vector<16xi32>], vector<16xf32>,
      %broadcast_in_dim3A_605 = arith.constant 7 : i32
      %broadcast_in_dim3A_606 = vector.broadcast %broadcast_in_dim3A_605 : i32 to vector<16xi32>
      %add3A_607 = arith.addi %mul3A_587, %broadcast_in_dim3A_606 : vector<16xi32>
      %gather3A_608 = tpu.vector_load_idx %arg16[%add3A_607] : memref<80000xf32, #tpu.memory_space<vmem>>[vector<16xi32>], vector<16xf32>,
      %broadcast_in_dim3A_609 = arith.constant 4 : i32
      %broadcast_in_dim3A_610 = vector.broadcast %broadcast_in_dim3A_609 : i32 to vector<16xi32>
      %add3A_611 = arith.addi %mul3A_592, %broadcast_in_dim3A_610 : vector<16xi32>
      %gather3A_612 = tpu.vector_load_idx %arg16[%add3A_611] : memref<80000xf32, #tpu.memory_space<vmem>>[vector<16xi32>], vector<16xf32>,
      %broadcast_in_dim3A_613 = arith.constant 5 : i32
      %broadcast_in_dim3A_614 = vector.broadcast %broadcast_in_dim3A_613 : i32 to vector<16xi32>
      %add3A_615 = arith.addi %mul3A_592, %broadcast_in_dim3A_614 : vector<16xi32>
      %gather3A_616 = tpu.vector_load_idx %arg16[%add3A_615] : memref<80000xf32, #tpu.memory_space<vmem>>[vector<16xi32>], vector<16xf32>,
      %broadcast_in_dim3A_617 = arith.constant 6 : i32
      %broadcast_in_dim3A_618 = vector.broadcast %broadcast_in_dim3A_617 : i32 to vector<16xi32>
      %add3A_619 = arith.addi %mul3A_592, %broadcast_in_dim3A_618 : vector<16xi32>
      %gather3A_620 = tpu.vector_load_idx %arg16[%add3A_619] : memref<80000xf32, #tpu.memory_space<vmem>>[vector<16xi32>], vector<16xf32>,
      %broadcast_in_dim3A_621 = arith.constant 7 : i32
      %broadcast_in_dim3A_622 = vector.broadcast %broadcast_in_dim3A_621 : i32 to vector<16xi32>
      %add3A_623 = arith.addi %mul3A_592, %broadcast_in_dim3A_622 : vector<16xi32>
      %gather3A_624 = tpu.vector_load_idx %arg16[%add3A_623] : memref<80000xf32, #tpu.memory_space<vmem>>[vector<16xi32>], vector<16xf32>,
      %broadcast_in_dim3A_625 = arith.constant 256 : i32
      %broadcast_in_dim3A_626 = vector.broadcast %broadcast_in_dim3A_625 : i32 to vector<16xi32>
      tpu.vector_store_idx %arg13[%add3A_582, %broadcast_in_dim3A_626], %gather3A_596 : memref<32x512xf32, #tpu.memory_space<vmem>>[vector<16xi32>, vector<16xi32>], vector<16xf32>,
      %broadcast_in_dim3A_627 = arith.constant 257 : i32
      %broadcast_in_dim3A_628 = vector.broadcast %broadcast_in_dim3A_627 : i32 to vector<16xi32>
      tpu.vector_store_idx %arg13[%add3A_582, %broadcast_in_dim3A_628], %gather3A_600 : memref<32x512xf32, #tpu.memory_space<vmem>>[vector<16xi32>, vector<16xi32>], vector<16xf32>,
      %broadcast_in_dim3A_629 = arith.constant 258 : i32
      %broadcast_in_dim3A_630 = vector.broadcast %broadcast_in_dim3A_629 : i32 to vector<16xi32>
      tpu.vector_store_idx %arg13[%add3A_582, %broadcast_in_dim3A_630], %gather3A_604 : memref<32x512xf32, #tpu.memory_space<vmem>>[vector<16xi32>, vector<16xi32>], vector<16xf32>,
      %broadcast_in_dim3A_631 = arith.constant 259 : i32
      %broadcast_in_dim3A_632 = vector.broadcast %broadcast_in_dim3A_631 : i32 to vector<16xi32>
      tpu.vector_store_idx %arg13[%add3A_582, %broadcast_in_dim3A_632], %gather3A_608 : memref<32x512xf32, #tpu.memory_space<vmem>>[vector<16xi32>, vector<16xi32>], vector<16xf32>,
      %broadcast_in_dim3A_633 = arith.constant 0 : i32
      %broadcast_in_dim3A_634 = vector.broadcast %broadcast_in_dim3A_633 : i32 to vector<16xi32>
      %add3A_635 = arith.addi %mul3A_592, %broadcast_in_dim3A_634 : vector<16xi32>
      %gather3A_636 = tpu.vector_load_idx %arg16[%add3A_635] : memref<80000xf32, #tpu.memory_space<vmem>>[vector<16xi32>], vector<16xf32>,
      %broadcast_in_dim3A_637 = arith.constant 0 : i32
      %broadcast_in_dim3A_638 = vector.broadcast %broadcast_in_dim3A_637 : i32 to vector<16xi32>
      tpu.vector_store_idx %arg15[%add3A_582, %broadcast_in_dim3A_638], %gather3A_636 : memref<32x12xf32, #tpu.memory_space<vmem>>[vector<16xi32>, vector<16xi32>], vector<16xf32>,
      %broadcast_in_dim3A_639 = arith.constant 1 : i32
      %broadcast_in_dim3A_640 = vector.broadcast %broadcast_in_dim3A_639 : i32 to vector<16xi32>
      %add3A_641 = arith.addi %mul3A_592, %broadcast_in_dim3A_640 : vector<16xi32>
      %gather3A_642 = tpu.vector_load_idx %arg16[%add3A_641] : memref<80000xf32, #tpu.memory_space<vmem>>[vector<16xi32>], vector<16xf32>,
      %broadcast_in_dim3A_643 = arith.constant 1 : i32
      %broadcast_in_dim3A_644 = vector.broadcast %broadcast_in_dim3A_643 : i32 to vector<16xi32>
      tpu.vector_store_idx %arg15[%add3A_582, %broadcast_in_dim3A_644], %gather3A_642 : memref<32x12xf32, #tpu.memory_space<vmem>>[vector<16xi32>, vector<16xi32>], vector<16xf32>,
      %broadcast_in_dim3A_645 = arith.constant 2 : i32
      %broadcast_in_dim3A_646 = vector.broadcast %broadcast_in_dim3A_645 : i32 to vector<16xi32>
      %add3A_647 = arith.addi %mul3A_592, %broadcast_in_dim3A_646 : vector<16xi32>
      %gather3A_648 = tpu.vector_load_idx %arg16[%add3A_647] : memref<80000xf32, #tpu.memory_space<vmem>>[vector<16xi32>], vector<16xf32>,
      %broadcast_in_dim3A_649 = arith.constant 2 : i32
      %broadcast_in_dim3A_650 = vector.broadcast %broadcast_in_dim3A_649 : i32 to vector<16xi32>
      tpu.vector_store_idx %arg15[%add3A_582, %broadcast_in_dim3A_650], %gather3A_648 : memref<32x12xf32, #tpu.memory_space<vmem>>[vector<16xi32>, vector<16xi32>], vector<16xf32>,
      %broadcast_in_dim3A_651 = arith.constant 3 : i32
      %broadcast_in_dim3A_652 = vector.broadcast %broadcast_in_dim3A_651 : i32 to vector<16xi32>
      %add3A_653 = arith.addi %mul3A_592, %broadcast_in_dim3A_652 : vector<16xi32>
      %gather3A_654 = tpu.vector_load_idx %arg16[%add3A_653] : memref<80000xf32, #tpu.memory_space<vmem>>[vector<16xi32>], vector<16xf32>,
      %broadcast_in_dim3A_655 = arith.constant 3 : i32
      %broadcast_in_dim3A_656 = vector.broadcast %broadcast_in_dim3A_655 : i32 to vector<16xi32>
      tpu.vector_store_idx %arg15[%add3A_582, %broadcast_in_dim3A_656], %gather3A_654 : memref<32x12xf32, #tpu.memory_space<vmem>>[vector<16xi32>, vector<16xi32>], vector<16xf32>,
      %broadcast_in_dim3A_657 = arith.constant 4 : i32
      %broadcast_in_dim3A_658 = vector.broadcast %broadcast_in_dim3A_657 : i32 to vector<16xi32>
      tpu.vector_store_idx %arg15[%add3A_582, %broadcast_in_dim3A_658], %gather3A_612 : memref<32x12xf32, #tpu.memory_space<vmem>>[vector<16xi32>, vector<16xi32>], vector<16xf32>,
      %broadcast_in_dim3A_659 = arith.constant 5 : i32
      %broadcast_in_dim3A_660 = vector.broadcast %broadcast_in_dim3A_659 : i32 to vector<16xi32>
      tpu.vector_store_idx %arg15[%add3A_582, %broadcast_in_dim3A_660], %gather3A_616 : memref<32x12xf32, #tpu.memory_space<vmem>>[vector<16xi32>, vector<16xi32>], vector<16xf32>,
      %broadcast_in_dim3A_661 = arith.constant 6 : i32
      %broadcast_in_dim3A_662 = vector.broadcast %broadcast_in_dim3A_661 : i32 to vector<16xi32>
      tpu.vector_store_idx %arg15[%add3A_582, %broadcast_in_dim3A_662], %gather3A_620 : memref<32x12xf32, #tpu.memory_space<vmem>>[vector<16xi32>, vector<16xi32>], vector<16xf32>,
      %broadcast_in_dim3A_663 = arith.constant 7 : i32
      %broadcast_in_dim3A_664 = vector.broadcast %broadcast_in_dim3A_663 : i32 to vector<16xi32>
      tpu.vector_store_idx %arg15[%add3A_582, %broadcast_in_dim3A_664], %gather3A_624 : memref<32x12xf32, #tpu.memory_space<vmem>>[vector<16xi32>, vector<16xi32>], vector<16xf32>,
      %mul3A_665 = arith.constant 5.000000e-01 : f32
      %mul3A_666 = vector.broadcast %mul3A_665 : f32 to vector<16xf32>
      %mul3A_667 = arith.mulf %gather3A_604, %mul3A_666 : vector<16xf32>
      %add3A_668 = arith.addf %gather3A_596, %mul3A_667 : vector<16xf32>
      %sub3A_669 = arith.subf %add3A_668, %gather3A_612 : vector<16xf32>
      %mul3A_670 = arith.constant 5.000000e-01 : f32
      %mul3A_671 = vector.broadcast %mul3A_670 : f32 to vector<16xf32>
      %mul3A_672 = arith.mulf %gather3A_620, %mul3A_671 : vector<16xf32>
      %sub3A_673 = arith.subf %sub3A_669, %mul3A_672 : vector<16xf32>
      %mul3A_674 = arith.constant 5.000000e-01 : f32
      %mul3A_675 = vector.broadcast %mul3A_674 : f32 to vector<16xf32>
      %mul3A_676 = arith.mulf %gather3A_608, %mul3A_675 : vector<16xf32>
      %add3A_677 = arith.addf %gather3A_600, %mul3A_676 : vector<16xf32>
      %sub3A_678 = arith.subf %add3A_677, %gather3A_616 : vector<16xf32>
      %mul3A_679 = arith.constant 5.000000e-01 : f32
      %mul3A_680 = vector.broadcast %mul3A_679 : f32 to vector<16xf32>
      %mul3A_681 = arith.mulf %gather3A_624, %mul3A_680 : vector<16xf32>
      %sub3A_682 = arith.subf %sub3A_678, %mul3A_681 : vector<16xf32>
      %mul3A_683 = arith.mulf %sub3A_673, %sub3A_673 : vector<16xf32>
      %mul3A_684 = arith.mulf %sub3A_682, %sub3A_682 : vector<16xf32>
      %add3A_685 = arith.addf %mul3A_683, %mul3A_684 : vector<16xf32>
      %bitcast3A_686 = vector.bitcast %add3A_685 : vector<16xf32> to vector<16xi32>
      %shift_right_logical3A_687 = arith.constant 1 : i32
      %shift_right_logical3A_688 = vector.broadcast %shift_right_logical3A_687 : i32 to vector<16xi32>
      %shift_right_logical3A_689 = arith.shrui %bitcast3A_686, %shift_right_logical3A_688 : vector<16xi32>
      %sub3A_690 = arith.constant 1597463007 : i32
      %sub3A_691 = vector.broadcast %sub3A_690 : i32 to vector<16xi32>
      %sub3A_692 = arith.subi %sub3A_691, %shift_right_logical3A_689 : vector<16xi32>
      %bitcast3A_693 = vector.bitcast %sub3A_692 : vector<16xi32> to vector<16xf32>
      %mul3A_694 = arith.constant 5.000000e-01 : f32
      %mul3A_695 = vector.broadcast %mul3A_694 : f32 to vector<16xf32>
      %mul3A_696 = arith.mulf %mul3A_695, %add3A_685 : vector<16xf32>
      %mul3A_697 = arith.mulf %mul3A_696, %bitcast3A_693 : vector<16xf32>
      %mul3A_698 = arith.mulf %mul3A_697, %bitcast3A_693 : vector<16xf32>
      %sub3A_699 = arith.constant 1.500000e+00 : f32
      %sub3A_700 = vector.broadcast %sub3A_699 : f32 to vector<16xf32>
      %sub3A_701 = arith.subf %sub3A_700, %mul3A_698 : vector<16xf32>
      %mul3A_702 = arith.mulf %bitcast3A_693, %sub3A_701 : vector<16xf32>
      %mul3A_703 = arith.mulf %mul3A_696, %mul3A_702 : vector<16xf32>
      %mul3A_704 = arith.mulf %mul3A_703, %mul3A_702 : vector<16xf32>
      %sub3A_705 = arith.constant 1.500000e+00 : f32
      %sub3A_706 = vector.broadcast %sub3A_705 : f32 to vector<16xf32>
      %sub3A_707 = arith.subf %sub3A_706, %mul3A_704 : vector<16xf32>
      %mul3A_708 = arith.mulf %mul3A_702, %sub3A_707 : vector<16xf32>
      %mul3A_709 = arith.mulf %mul3A_696, %mul3A_708 : vector<16xf32>
      %mul3A_710 = arith.mulf %mul3A_709, %mul3A_708 : vector<16xf32>
      %sub3A_711 = arith.constant 1.500000e+00 : f32
      %sub3A_712 = vector.broadcast %sub3A_711 : f32 to vector<16xf32>
      %sub3A_713 = arith.subf %sub3A_712, %mul3A_710 : vector<16xf32>
      %mul3A_714 = arith.mulf %mul3A_708, %sub3A_713 : vector<16xf32>
      %mul3A_715 = arith.mulf %add3A_685, %mul3A_714 : vector<16xf32>
      %abs3A_716 = math.absf %sub3A_673 : vector<16xf32>
      %abs3A_717 = math.absf %sub3A_682 : vector<16xf32>
      %min3A_718 = arith.minimumf %abs3A_716, %abs3A_717 : vector<16xf32>
      %max3A_719 = arith.maximumf %abs3A_716, %abs3A_717 : vector<16xf32>
      %max3A_720 = arith.constant 1.000000e-30 : f32
      %max3A_721 = vector.broadcast %max3A_720 : f32 to vector<16xf32>
      %max3A_722 = arith.maximumf %max3A_719, %max3A_721 : vector<16xf32>
      %div3A_723 = arith.divf %min3A_718, %max3A_722 : vector<16xf32>
      %mul3A_724 = arith.mulf %div3A_723, %div3A_723 : vector<16xf32>
      %mul3A_725 = arith.constant -1.172120e-02 : f32
      %mul3A_726 = vector.broadcast %mul3A_725 : f32 to vector<16xf32>
      %mul3A_727 = arith.mulf %mul3A_726, %mul3A_724 : vector<16xf32>
      %add3A_728 = arith.constant 0.0526533201 : f32
      %add3A_729 = vector.broadcast %add3A_728 : f32 to vector<16xf32>
      %add3A_730 = arith.addf %mul3A_727, %add3A_729 : vector<16xf32>
      %mul3A_731 = arith.mulf %add3A_730, %mul3A_724 : vector<16xf32>
      %add3A_732 = arith.constant -0.116432868 : f32
      %add3A_733 = vector.broadcast %add3A_732 : f32 to vector<16xf32>
      %add3A_734 = arith.addf %mul3A_731, %add3A_733 : vector<16xf32>
      %mul3A_735 = arith.mulf %add3A_734, %mul3A_724 : vector<16xf32>
      %add3A_736 = arith.constant 0.193543464 : f32
      %add3A_737 = vector.broadcast %add3A_736 : f32 to vector<16xf32>
      %add3A_738 = arith.addf %mul3A_735, %add3A_737 : vector<16xf32>
      %mul3A_739 = arith.mulf %add3A_738, %mul3A_724 : vector<16xf32>
      %add3A_740 = arith.constant -0.332623482 : f32
      %add3A_741 = vector.broadcast %add3A_740 : f32 to vector<16xf32>
      %add3A_742 = arith.addf %mul3A_739, %add3A_741 : vector<16xf32>
      %mul3A_743 = arith.mulf %add3A_742, %mul3A_724 : vector<16xf32>
      %add3A_744 = arith.constant 0.999977231 : f32
      %add3A_745 = vector.broadcast %add3A_744 : f32 to vector<16xf32>
      %add3A_746 = arith.addf %mul3A_743, %add3A_745 : vector<16xf32>
      %mul3A_747 = arith.mulf %div3A_723, %add3A_746 : vector<16xf32>
      %gt3A_748 = arith.cmpf ogt, %abs3A_717, %abs3A_716 : vector<16xf32>
      %sub3A_749 = arith.constant 1.57079637 : f32
      %sub3A_750 = vector.broadcast %sub3A_749 : f32 to vector<16xf32>
      %sub3A_751 = arith.subf %sub3A_750, %mul3A_747 : vector<16xf32>
      %select_n3A_752 = arith.select %gt3A_748, %sub3A_751, %mul3A_747 : vector<16xi1>, vector<16xf32>
      %broadcast_in_dim3A_753 = arith.constant 8 : i32
      %broadcast_in_dim3A_754 = vector.broadcast %broadcast_in_dim3A_753 : i32 to vector<16xi32>
      tpu.vector_store_idx %arg15[%add3A_582, %broadcast_in_dim3A_754], %mul3A_715 : memref<32x12xf32, #tpu.memory_space<vmem>>[vector<16xi32>, vector<16xi32>], vector<16xf32>,
      %sign3A_755 = tpu.bitcast %sub3A_682 : vector<16xf32> -> vector<16xi32>
      %sign3A_756 = arith.constant -2147483648 : i32
      %sign3A_757 = vector.broadcast %sign3A_756 : i32 to vector<16xi32>
      %sign3A_758 = arith.andi %sign3A_755, %sign3A_757 : vector<16xi32>
      %sign3A_759 = arith.constant 1065353216 : i32
      %sign3A_760 = vector.broadcast %sign3A_759 : i32 to vector<16xi32>
      %sign3A_761 = arith.ori %sign3A_760, %sign3A_758 : vector<16xi32>
      %sign3A_762 = tpu.bitcast %sign3A_761 : vector<16xi32> -> vector<16xf32>
      %sign3A_763 = math.absf %sub3A_682 : vector<16xf32>
      %sign3A_764 = arith.constant 0.000000e+00 : f32
      %sign3A_765 = vector.broadcast %sign3A_764 : f32 to vector<16xf32>
      %sign3A_766 = arith.cmpf ogt, %sign3A_763, %sign3A_765 : vector<16xf32>
      %sign3A_767 = arith.select %sign3A_766, %sign3A_762, %sub3A_682 : vector<16xi1>, vector<16xf32>
      %mul3A_768 = arith.mulf %sign3A_767, %select_n3A_752 : vector<16xf32>
      %broadcast_in_dim3A_769 = arith.constant 9 : i32
      %broadcast_in_dim3A_770 = vector.broadcast %broadcast_in_dim3A_769 : i32 to vector<16xi32>
      tpu.vector_store_idx %arg15[%add3A_582, %broadcast_in_dim3A_770], %mul3A_768 : memref<32x12xf32, #tpu.memory_space<vmem>>[vector<16xi32>, vector<16xi32>], vector<16xf32>,
      %sub3A_771 = arith.subf %gather3A_612, %gather3A_596 : vector<16xf32>
      %sign3A_772 = tpu.bitcast %sub3A_771 : vector<16xf32> -> vector<16xi32>
      %sign3A_773 = arith.constant -2147483648 : i32
      %sign3A_774 = vector.broadcast %sign3A_773 : i32 to vector<16xi32>
      %sign3A_775 = arith.andi %sign3A_772, %sign3A_774 : vector<16xi32>
      %sign3A_776 = arith.constant 1065353216 : i32
      %sign3A_777 = vector.broadcast %sign3A_776 : i32 to vector<16xi32>
      %sign3A_778 = arith.ori %sign3A_777, %sign3A_775 : vector<16xi32>
      %sign3A_779 = tpu.bitcast %sign3A_778 : vector<16xi32> -> vector<16xf32>
      %sign3A_780 = math.absf %sub3A_771 : vector<16xf32>
      %sign3A_781 = arith.constant 0.000000e+00 : f32
      %sign3A_782 = vector.broadcast %sign3A_781 : f32 to vector<16xf32>
      %sign3A_783 = arith.cmpf ogt, %sign3A_780, %sign3A_782 : vector<16xf32>
      %sign3A_784 = arith.select %sign3A_783, %sign3A_779, %sub3A_771 : vector<16xi1>, vector<16xf32>
      %broadcast_in_dim3A_785 = arith.constant 10 : i32
      %broadcast_in_dim3A_786 = vector.broadcast %broadcast_in_dim3A_785 : i32 to vector<16xi32>
      tpu.vector_store_idx %arg15[%add3A_582, %broadcast_in_dim3A_786], %sign3A_784 : memref<32x12xf32, #tpu.memory_space<vmem>>[vector<16xi32>, vector<16xi32>], vector<16xf32>,
      %sub3A_787 = arith.subf %gather3A_616, %gather3A_600 : vector<16xf32>
      %sign3A_788 = tpu.bitcast %sub3A_787 : vector<16xf32> -> vector<16xi32>
      %sign3A_789 = arith.constant -2147483648 : i32
      %sign3A_790 = vector.broadcast %sign3A_789 : i32 to vector<16xi32>
      %sign3A_791 = arith.andi %sign3A_788, %sign3A_790 : vector<16xi32>
      %sign3A_792 = arith.constant 1065353216 : i32
      %sign3A_793 = vector.broadcast %sign3A_792 : i32 to vector<16xi32>
      %sign3A_794 = arith.ori %sign3A_793, %sign3A_791 : vector<16xi32>
      %sign3A_795 = tpu.bitcast %sign3A_794 : vector<16xi32> -> vector<16xf32>
      %sign3A_796 = math.absf %sub3A_787 : vector<16xf32>
      %sign3A_797 = arith.constant 0.000000e+00 : f32
      %sign3A_798 = vector.broadcast %sign3A_797 : f32 to vector<16xf32>
      %sign3A_799 = arith.cmpf ogt, %sign3A_796, %sign3A_798 : vector<16xf32>
      %sign3A_800 = arith.select %sign3A_799, %sign3A_795, %sub3A_787 : vector<16xi1>, vector<16xf32>
      %broadcast_in_dim3A_801 = arith.constant 11 : i32
      %broadcast_in_dim3A_802 = vector.broadcast %broadcast_in_dim3A_801 : i32 to vector<16xi32>
      tpu.vector_store_idx %arg15[%add3A_582, %broadcast_in_dim3A_802], %sign3A_800 : memref<32x12xf32, #tpu.memory_space<vmem>>[vector<16xi32>, vector<16xi32>], vector<16xf32>,
      %iota3A_803 = tpu.iota {dimensions = array<i32: 0>} : vector<16xi32>
      %add3A_804 = arith.constant 16 : i32
      %add3A_805 = vector.broadcast %add3A_804 : i32 to vector<16xi32>
      %add3A_806 = arith.addi %iota3A_803, %add3A_805 : vector<16xi32>
      %get3A_807 = arith.constant 16 : index
      %get3A_808 = tpu.vector_load %arg10[%get3A_807] {strides = array<i32>} : memref<32xi32, #tpu.memory_space<vmem>>, vector<16xi32>,
      %mul3A_809 = arith.constant 8 : i32
      %mul3A_810 = vector.broadcast %mul3A_809 : i32 to vector<16xi32>
      %mul3A_811 = arith.muli %get3A_808, %mul3A_810 : vector<16xi32>
      %get3A_812 = arith.constant 16 : index
      %get3A_813 = tpu.vector_load %arg11[%get3A_812] {strides = array<i32>} : memref<32xi32, #tpu.memory_space<vmem>>, vector<16xi32>,
      %mul3A_814 = arith.constant 8 : i32
      %mul3A_815 = vector.broadcast %mul3A_814 : i32 to vector<16xi32>
      %mul3A_816 = arith.muli %get3A_813, %mul3A_815 : vector<16xi32>
      %broadcast_in_dim3A_817 = arith.constant 4 : i32
      %broadcast_in_dim3A_818 = vector.broadcast %broadcast_in_dim3A_817 : i32 to vector<16xi32>
      %add3A_819 = arith.addi %mul3A_811, %broadcast_in_dim3A_818 : vector<16xi32>
      %gather3A_820 = tpu.vector_load_idx %arg16[%add3A_819] : memref<80000xf32, #tpu.memory_space<vmem>>[vector<16xi32>], vector<16xf32>,
      %broadcast_in_dim3A_821 = arith.constant 5 : i32
      %broadcast_in_dim3A_822 = vector.broadcast %broadcast_in_dim3A_821 : i32 to vector<16xi32>
      %add3A_823 = arith.addi %mul3A_811, %broadcast_in_dim3A_822 : vector<16xi32>
      %gather3A_824 = tpu.vector_load_idx %arg16[%add3A_823] : memref<80000xf32, #tpu.memory_space<vmem>>[vector<16xi32>], vector<16xf32>,
      %broadcast_in_dim3A_825 = arith.constant 6 : i32
      %broadcast_in_dim3A_826 = vector.broadcast %broadcast_in_dim3A_825 : i32 to vector<16xi32>
      %add3A_827 = arith.addi %mul3A_811, %broadcast_in_dim3A_826 : vector<16xi32>
      %gather3A_828 = tpu.vector_load_idx %arg16[%add3A_827] : memref<80000xf32, #tpu.memory_space<vmem>>[vector<16xi32>], vector<16xf32>,
      %broadcast_in_dim3A_829 = arith.constant 7 : i32
      %broadcast_in_dim3A_830 = vector.broadcast %broadcast_in_dim3A_829 : i32 to vector<16xi32>
      %add3A_831 = arith.addi %mul3A_811, %broadcast_in_dim3A_830 : vector<16xi32>
      %gather3A_832 = tpu.vector_load_idx %arg16[%add3A_831] : memref<80000xf32, #tpu.memory_space<vmem>>[vector<16xi32>], vector<16xf32>,
      %broadcast_in_dim3A_833 = arith.constant 4 : i32
      %broadcast_in_dim3A_834 = vector.broadcast %broadcast_in_dim3A_833 : i32 to vector<16xi32>
      %add3A_835 = arith.addi %mul3A_816, %broadcast_in_dim3A_834 : vector<16xi32>
      %gather3A_836 = tpu.vector_load_idx %arg16[%add3A_835] : memref<80000xf32, #tpu.memory_space<vmem>>[vector<16xi32>], vector<16xf32>,
      %broadcast_in_dim3A_837 = arith.constant 5 : i32
      %broadcast_in_dim3A_838 = vector.broadcast %broadcast_in_dim3A_837 : i32 to vector<16xi32>
      %add3A_839 = arith.addi %mul3A_816, %broadcast_in_dim3A_838 : vector<16xi32>
      %gather3A_840 = tpu.vector_load_idx %arg16[%add3A_839] : memref<80000xf32, #tpu.memory_space<vmem>>[vector<16xi32>], vector<16xf32>,
      %broadcast_in_dim3A_841 = arith.constant 6 : i32
      %broadcast_in_dim3A_842 = vector.broadcast %broadcast_in_dim3A_841 : i32 to vector<16xi32>
      %add3A_843 = arith.addi %mul3A_816, %broadcast_in_dim3A_842 : vector<16xi32>
      %gather3A_844 = tpu.vector_load_idx %arg16[%add3A_843] : memref<80000xf32, #tpu.memory_space<vmem>>[vector<16xi32>], vector<16xf32>,
      %broadcast_in_dim3A_845 = arith.constant 7 : i32
      %broadcast_in_dim3A_846 = vector.broadcast %broadcast_in_dim3A_845 : i32 to vector<16xi32>
      %add3A_847 = arith.addi %mul3A_816, %broadcast_in_dim3A_846 : vector<16xi32>
      %gather3A_848 = tpu.vector_load_idx %arg16[%add3A_847] : memref<80000xf32, #tpu.memory_space<vmem>>[vector<16xi32>], vector<16xf32>,
      %broadcast_in_dim3A_849 = arith.constant 256 : i32
      %broadcast_in_dim3A_850 = vector.broadcast %broadcast_in_dim3A_849 : i32 to vector<16xi32>
      tpu.vector_store_idx %arg13[%add3A_806, %broadcast_in_dim3A_850], %gather3A_820 : memref<32x512xf32, #tpu.memory_space<vmem>>[vector<16xi32>, vector<16xi32>], vector<16xf32>,
      %broadcast_in_dim3A_851 = arith.constant 257 : i32
      %broadcast_in_dim3A_852 = vector.broadcast %broadcast_in_dim3A_851 : i32 to vector<16xi32>
      tpu.vector_store_idx %arg13[%add3A_806, %broadcast_in_dim3A_852], %gather3A_824 : memref<32x512xf32, #tpu.memory_space<vmem>>[vector<16xi32>, vector<16xi32>], vector<16xf32>,
      %broadcast_in_dim3A_853 = arith.constant 258 : i32
      %broadcast_in_dim3A_854 = vector.broadcast %broadcast_in_dim3A_853 : i32 to vector<16xi32>
      tpu.vector_store_idx %arg13[%add3A_806, %broadcast_in_dim3A_854], %gather3A_828 : memref<32x512xf32, #tpu.memory_space<vmem>>[vector<16xi32>, vector<16xi32>], vector<16xf32>,
      %broadcast_in_dim3A_855 = arith.constant 259 : i32
      %broadcast_in_dim3A_856 = vector.broadcast %broadcast_in_dim3A_855 : i32 to vector<16xi32>
      tpu.vector_store_idx %arg13[%add3A_806, %broadcast_in_dim3A_856], %gather3A_832 : memref<32x512xf32, #tpu.memory_space<vmem>>[vector<16xi32>, vector<16xi32>], vector<16xf32>,
      %broadcast_in_dim3A_857 = arith.constant 0 : i32
      %broadcast_in_dim3A_858 = vector.broadcast %broadcast_in_dim3A_857 : i32 to vector<16xi32>
      %add3A_859 = arith.addi %mul3A_816, %broadcast_in_dim3A_858 : vector<16xi32>
      %gather3A_860 = tpu.vector_load_idx %arg16[%add3A_859] : memref<80000xf32, #tpu.memory_space<vmem>>[vector<16xi32>], vector<16xf32>,
      %broadcast_in_dim3A_861 = arith.constant 0 : i32
      %broadcast_in_dim3A_862 = vector.broadcast %broadcast_in_dim3A_861 : i32 to vector<16xi32>
      tpu.vector_store_idx %arg15[%add3A_806, %broadcast_in_dim3A_862], %gather3A_860 : memref<32x12xf32, #tpu.memory_space<vmem>>[vector<16xi32>, vector<16xi32>], vector<16xf32>,
      %broadcast_in_dim3A_863 = arith.constant 1 : i32
      %broadcast_in_dim3A_864 = vector.broadcast %broadcast_in_dim3A_863 : i32 to vector<16xi32>
      %add3A_865 = arith.addi %mul3A_816, %broadcast_in_dim3A_864 : vector<16xi32>
      %gather3A_866 = tpu.vector_load_idx %arg16[%add3A_865] : memref<80000xf32, #tpu.memory_space<vmem>>[vector<16xi32>], vector<16xf32>,
      %broadcast_in_dim3A_867 = arith.constant 1 : i32
      %broadcast_in_dim3A_868 = vector.broadcast %broadcast_in_dim3A_867 : i32 to vector<16xi32>
      tpu.vector_store_idx %arg15[%add3A_806, %broadcast_in_dim3A_868], %gather3A_866 : memref<32x12xf32, #tpu.memory_space<vmem>>[vector<16xi32>, vector<16xi32>], vector<16xf32>,
      %broadcast_in_dim3A_869 = arith.constant 2 : i32
      %broadcast_in_dim3A_870 = vector.broadcast %broadcast_in_dim3A_869 : i32 to vector<16xi32>
      %add3A_871 = arith.addi %mul3A_816, %broadcast_in_dim3A_870 : vector<16xi32>
      %gather3A_872 = tpu.vector_load_idx %arg16[%add3A_871] : memref<80000xf32, #tpu.memory_space<vmem>>[vector<16xi32>], vector<16xf32>,
      %broadcast_in_dim3A_873 = arith.constant 2 : i32
      %broadcast_in_dim3A_874 = vector.broadcast %broadcast_in_dim3A_873 : i32 to vector<16xi32>
      tpu.vector_store_idx %arg15[%add3A_806, %broadcast_in_dim3A_874], %gather3A_872 : memref<32x12xf32, #tpu.memory_space<vmem>>[vector<16xi32>, vector<16xi32>], vector<16xf32>,
      %broadcast_in_dim3A_875 = arith.constant 3 : i32
      %broadcast_in_dim3A_876 = vector.broadcast %broadcast_in_dim3A_875 : i32 to vector<16xi32>
      %add3A_877 = arith.addi %mul3A_816, %broadcast_in_dim3A_876 : vector<16xi32>
      %gather3A_878 = tpu.vector_load_idx %arg16[%add3A_877] : memref<80000xf32, #tpu.memory_space<vmem>>[vector<16xi32>], vector<16xf32>,
      %broadcast_in_dim3A_879 = arith.constant 3 : i32
      %broadcast_in_dim3A_880 = vector.broadcast %broadcast_in_dim3A_879 : i32 to vector<16xi32>
      tpu.vector_store_idx %arg15[%add3A_806, %broadcast_in_dim3A_880], %gather3A_878 : memref<32x12xf32, #tpu.memory_space<vmem>>[vector<16xi32>, vector<16xi32>], vector<16xf32>,
      %broadcast_in_dim3A_881 = arith.constant 4 : i32
      %broadcast_in_dim3A_882 = vector.broadcast %broadcast_in_dim3A_881 : i32 to vector<16xi32>
      tpu.vector_store_idx %arg15[%add3A_806, %broadcast_in_dim3A_882], %gather3A_836 : memref<32x12xf32, #tpu.memory_space<vmem>>[vector<16xi32>, vector<16xi32>], vector<16xf32>,
      %broadcast_in_dim3A_883 = arith.constant 5 : i32
      %broadcast_in_dim3A_884 = vector.broadcast %broadcast_in_dim3A_883 : i32 to vector<16xi32>
      tpu.vector_store_idx %arg15[%add3A_806, %broadcast_in_dim3A_884], %gather3A_840 : memref<32x12xf32, #tpu.memory_space<vmem>>[vector<16xi32>, vector<16xi32>], vector<16xf32>,
      %broadcast_in_dim3A_885 = arith.constant 6 : i32
      %broadcast_in_dim3A_886 = vector.broadcast %broadcast_in_dim3A_885 : i32 to vector<16xi32>
      tpu.vector_store_idx %arg15[%add3A_806, %broadcast_in_dim3A_886], %gather3A_844 : memref<32x12xf32, #tpu.memory_space<vmem>>[vector<16xi32>, vector<16xi32>], vector<16xf32>,
      %broadcast_in_dim3A_887 = arith.constant 7 : i32
      %broadcast_in_dim3A_888 = vector.broadcast %broadcast_in_dim3A_887 : i32 to vector<16xi32>
      tpu.vector_store_idx %arg15[%add3A_806, %broadcast_in_dim3A_888], %gather3A_848 : memref<32x12xf32, #tpu.memory_space<vmem>>[vector<16xi32>, vector<16xi32>], vector<16xf32>,
      %mul3A_889 = arith.constant 5.000000e-01 : f32
      %mul3A_890 = vector.broadcast %mul3A_889 : f32 to vector<16xf32>
      %mul3A_891 = arith.mulf %gather3A_828, %mul3A_890 : vector<16xf32>
      %add3A_892 = arith.addf %gather3A_820, %mul3A_891 : vector<16xf32>
      %sub3A_893 = arith.subf %add3A_892, %gather3A_836 : vector<16xf32>
      %mul3A_894 = arith.constant 5.000000e-01 : f32
      %mul3A_895 = vector.broadcast %mul3A_894 : f32 to vector<16xf32>
      %mul3A_896 = arith.mulf %gather3A_844, %mul3A_895 : vector<16xf32>
      %sub3A_897 = arith.subf %sub3A_893, %mul3A_896 : vector<16xf32>
      %mul3A_898 = arith.constant 5.000000e-01 : f32
      %mul3A_899 = vector.broadcast %mul3A_898 : f32 to vector<16xf32>
      %mul3A_900 = arith.mulf %gather3A_832, %mul3A_899 : vector<16xf32>
      %add3A_901 = arith.addf %gather3A_824, %mul3A_900 : vector<16xf32>
      %sub3A_902 = arith.subf %add3A_901, %gather3A_840 : vector<16xf32>
      %mul3A_903 = arith.constant 5.000000e-01 : f32
      %mul3A_904 = vector.broadcast %mul3A_903 : f32 to vector<16xf32>
      %mul3A_905 = arith.mulf %gather3A_848, %mul3A_904 : vector<16xf32>
      %sub3A_906 = arith.subf %sub3A_902, %mul3A_905 : vector<16xf32>
      %mul3A_907 = arith.mulf %sub3A_897, %sub3A_897 : vector<16xf32>
      %mul3A_908 = arith.mulf %sub3A_906, %sub3A_906 : vector<16xf32>
      %add3A_909 = arith.addf %mul3A_907, %mul3A_908 : vector<16xf32>
      %bitcast3A_910 = vector.bitcast %add3A_909 : vector<16xf32> to vector<16xi32>
      %shift_right_logical3A_911 = arith.constant 1 : i32
      %shift_right_logical3A_912 = vector.broadcast %shift_right_logical3A_911 : i32 to vector<16xi32>
      %shift_right_logical3A_913 = arith.shrui %bitcast3A_910, %shift_right_logical3A_912 : vector<16xi32>
      %sub3A_914 = arith.constant 1597463007 : i32
      %sub3A_915 = vector.broadcast %sub3A_914 : i32 to vector<16xi32>
      %sub3A_916 = arith.subi %sub3A_915, %shift_right_logical3A_913 : vector<16xi32>
      %bitcast3A_917 = vector.bitcast %sub3A_916 : vector<16xi32> to vector<16xf32>
      %mul3A_918 = arith.constant 5.000000e-01 : f32
      %mul3A_919 = vector.broadcast %mul3A_918 : f32 to vector<16xf32>
      %mul3A_920 = arith.mulf %mul3A_919, %add3A_909 : vector<16xf32>
      %mul3A_921 = arith.mulf %mul3A_920, %bitcast3A_917 : vector<16xf32>
      %mul3A_922 = arith.mulf %mul3A_921, %bitcast3A_917 : vector<16xf32>
      %sub3A_923 = arith.constant 1.500000e+00 : f32
      %sub3A_924 = vector.broadcast %sub3A_923 : f32 to vector<16xf32>
      %sub3A_925 = arith.subf %sub3A_924, %mul3A_922 : vector<16xf32>
      %mul3A_926 = arith.mulf %bitcast3A_917, %sub3A_925 : vector<16xf32>
      %mul3A_927 = arith.mulf %mul3A_920, %mul3A_926 : vector<16xf32>
      %mul3A_928 = arith.mulf %mul3A_927, %mul3A_926 : vector<16xf32>
      %sub3A_929 = arith.constant 1.500000e+00 : f32
      %sub3A_930 = vector.broadcast %sub3A_929 : f32 to vector<16xf32>
      %sub3A_931 = arith.subf %sub3A_930, %mul3A_928 : vector<16xf32>
      %mul3A_932 = arith.mulf %mul3A_926, %sub3A_931 : vector<16xf32>
      %mul3A_933 = arith.mulf %mul3A_920, %mul3A_932 : vector<16xf32>
      %mul3A_934 = arith.mulf %mul3A_933, %mul3A_932 : vector<16xf32>
      %sub3A_935 = arith.constant 1.500000e+00 : f32
      %sub3A_936 = vector.broadcast %sub3A_935 : f32 to vector<16xf32>
      %sub3A_937 = arith.subf %sub3A_936, %mul3A_934 : vector<16xf32>
      %mul3A_938 = arith.mulf %mul3A_932, %sub3A_937 : vector<16xf32>
      %mul3A_939 = arith.mulf %add3A_909, %mul3A_938 : vector<16xf32>
      %abs3A_940 = math.absf %sub3A_897 : vector<16xf32>
      %abs3A_941 = math.absf %sub3A_906 : vector<16xf32>
      %min3A_942 = arith.minimumf %abs3A_940, %abs3A_941 : vector<16xf32>
      %max3A_943 = arith.maximumf %abs3A_940, %abs3A_941 : vector<16xf32>
      %max3A_944 = arith.constant 1.000000e-30 : f32
      %max3A_945 = vector.broadcast %max3A_944 : f32 to vector<16xf32>
      %max3A_946 = arith.maximumf %max3A_943, %max3A_945 : vector<16xf32>
      %div3A_947 = arith.divf %min3A_942, %max3A_946 : vector<16xf32>
      %mul3A_948 = arith.mulf %div3A_947, %div3A_947 : vector<16xf32>
      %mul3A_949 = arith.constant -1.172120e-02 : f32
      %mul3A_950 = vector.broadcast %mul3A_949 : f32 to vector<16xf32>
      %mul3A_951 = arith.mulf %mul3A_950, %mul3A_948 : vector<16xf32>
      %add3A_952 = arith.constant 0.0526533201 : f32
      %add3A_953 = vector.broadcast %add3A_952 : f32 to vector<16xf32>
      %add3A_954 = arith.addf %mul3A_951, %add3A_953 : vector<16xf32>
      %mul3A_955 = arith.mulf %add3A_954, %mul3A_948 : vector<16xf32>
      %add3A_956 = arith.constant -0.116432868 : f32
      %add3A_957 = vector.broadcast %add3A_956 : f32 to vector<16xf32>
      %add3A_958 = arith.addf %mul3A_955, %add3A_957 : vector<16xf32>
      %mul3A_959 = arith.mulf %add3A_958, %mul3A_948 : vector<16xf32>
      %add3A_960 = arith.constant 0.193543464 : f32
      %add3A_961 = vector.broadcast %add3A_960 : f32 to vector<16xf32>
      %add3A_962 = arith.addf %mul3A_959, %add3A_961 : vector<16xf32>
      %mul3A_963 = arith.mulf %add3A_962, %mul3A_948 : vector<16xf32>
      %add3A_964 = arith.constant -0.332623482 : f32
      %add3A_965 = vector.broadcast %add3A_964 : f32 to vector<16xf32>
      %add3A_966 = arith.addf %mul3A_963, %add3A_965 : vector<16xf32>
      %mul3A_967 = arith.mulf %add3A_966, %mul3A_948 : vector<16xf32>
      %add3A_968 = arith.constant 0.999977231 : f32
      %add3A_969 = vector.broadcast %add3A_968 : f32 to vector<16xf32>
      %add3A_970 = arith.addf %mul3A_967, %add3A_969 : vector<16xf32>
      %mul3A_971 = arith.mulf %div3A_947, %add3A_970 : vector<16xf32>
      %gt3A_972 = arith.cmpf ogt, %abs3A_941, %abs3A_940 : vector<16xf32>
      %sub3A_973 = arith.constant 1.57079637 : f32
      %sub3A_974 = vector.broadcast %sub3A_973 : f32 to vector<16xf32>
      %sub3A_975 = arith.subf %sub3A_974, %mul3A_971 : vector<16xf32>
      %select_n3A_976 = arith.select %gt3A_972, %sub3A_975, %mul3A_971 : vector<16xi1>, vector<16xf32>
      %broadcast_in_dim3A_977 = arith.constant 8 : i32
      %broadcast_in_dim3A_978 = vector.broadcast %broadcast_in_dim3A_977 : i32 to vector<16xi32>
      tpu.vector_store_idx %arg15[%add3A_806, %broadcast_in_dim3A_978], %mul3A_939 : memref<32x12xf32, #tpu.memory_space<vmem>>[vector<16xi32>, vector<16xi32>], vector<16xf32>,
      %sign3A_979 = tpu.bitcast %sub3A_906 : vector<16xf32> -> vector<16xi32>
      %sign3A_980 = arith.constant -2147483648 : i32
      %sign3A_981 = vector.broadcast %sign3A_980 : i32 to vector<16xi32>
      %sign3A_982 = arith.andi %sign3A_979, %sign3A_981 : vector<16xi32>
      %sign3A_983 = arith.constant 1065353216 : i32
      %sign3A_984 = vector.broadcast %sign3A_983 : i32 to vector<16xi32>
      %sign3A_985 = arith.ori %sign3A_984, %sign3A_982 : vector<16xi32>
      %sign3A_986 = tpu.bitcast %sign3A_985 : vector<16xi32> -> vector<16xf32>
      %sign3A_987 = math.absf %sub3A_906 : vector<16xf32>
      %sign3A_988 = arith.constant 0.000000e+00 : f32
      %sign3A_989 = vector.broadcast %sign3A_988 : f32 to vector<16xf32>
      %sign3A_990 = arith.cmpf ogt, %sign3A_987, %sign3A_989 : vector<16xf32>
      %sign3A_991 = arith.select %sign3A_990, %sign3A_986, %sub3A_906 : vector<16xi1>, vector<16xf32>
      %mul3A_992 = arith.mulf %sign3A_991, %select_n3A_976 : vector<16xf32>
      %broadcast_in_dim3A_993 = arith.constant 9 : i32
      %broadcast_in_dim3A_994 = vector.broadcast %broadcast_in_dim3A_993 : i32 to vector<16xi32>
      tpu.vector_store_idx %arg15[%add3A_806, %broadcast_in_dim3A_994], %mul3A_992 : memref<32x12xf32, #tpu.memory_space<vmem>>[vector<16xi32>, vector<16xi32>], vector<16xf32>,
      %sub3A_995 = arith.subf %gather3A_836, %gather3A_820 : vector<16xf32>
      %sign3A_996 = tpu.bitcast %sub3A_995 : vector<16xf32> -> vector<16xi32>
      %sign3A_997 = arith.constant -2147483648 : i32
      %sign3A_998 = vector.broadcast %sign3A_997 : i32 to vector<16xi32>
      %sign3A_999 = arith.andi %sign3A_996, %sign3A_998 : vector<16xi32>
      %sign3A_1000 = arith.constant 1065353216 : i32
      %sign3A_1001 = vector.broadcast %sign3A_1000 : i32 to vector<16xi32>
      %sign3A_1002 = arith.ori %sign3A_1001, %sign3A_999 : vector<16xi32>
      %sign3A_1003 = tpu.bitcast %sign3A_1002 : vector<16xi32> -> vector<16xf32>
      %sign3A_1004 = math.absf %sub3A_995 : vector<16xf32>
      %sign3A_1005 = arith.constant 0.000000e+00 : f32
      %sign3A_1006 = vector.broadcast %sign3A_1005 : f32 to vector<16xf32>
      %sign3A_1007 = arith.cmpf ogt, %sign3A_1004, %sign3A_1006 : vector<16xf32>
      %sign3A_1008 = arith.select %sign3A_1007, %sign3A_1003, %sub3A_995 : vector<16xi1>, vector<16xf32>
      %broadcast_in_dim3A_1009 = arith.constant 10 : i32
      %broadcast_in_dim3A_1010 = vector.broadcast %broadcast_in_dim3A_1009 : i32 to vector<16xi32>
      tpu.vector_store_idx %arg15[%add3A_806, %broadcast_in_dim3A_1010], %sign3A_1008 : memref<32x12xf32, #tpu.memory_space<vmem>>[vector<16xi32>, vector<16xi32>], vector<16xf32>,
      %sub3A_1011 = arith.subf %gather3A_840, %gather3A_824 : vector<16xf32>
      %sign3A_1012 = tpu.bitcast %sub3A_1011 : vector<16xf32> -> vector<16xi32>
      %sign3A_1013 = arith.constant -2147483648 : i32
      %sign3A_1014 = vector.broadcast %sign3A_1013 : i32 to vector<16xi32>
      %sign3A_1015 = arith.andi %sign3A_1012, %sign3A_1014 : vector<16xi32>
      %sign3A_1016 = arith.constant 1065353216 : i32
      %sign3A_1017 = vector.broadcast %sign3A_1016 : i32 to vector<16xi32>
      %sign3A_1018 = arith.ori %sign3A_1017, %sign3A_1015 : vector<16xi32>
      %sign3A_1019 = tpu.bitcast %sign3A_1018 : vector<16xi32> -> vector<16xf32>
      %sign3A_1020 = math.absf %sub3A_1011 : vector<16xf32>
      %sign3A_1021 = arith.constant 0.000000e+00 : f32
      %sign3A_1022 = vector.broadcast %sign3A_1021 : f32 to vector<16xf32>
      %sign3A_1023 = arith.cmpf ogt, %sign3A_1020, %sign3A_1022 : vector<16xf32>
      %sign3A_1024 = arith.select %sign3A_1023, %sign3A_1019, %sub3A_1011 : vector<16xi1>, vector<16xf32>
      %broadcast_in_dim3A_1025 = arith.constant 11 : i32
      %broadcast_in_dim3A_1026 = vector.broadcast %broadcast_in_dim3A_1025 : i32 to vector<16xi32>
      tpu.vector_store_idx %arg15[%add3A_806, %broadcast_in_dim3A_1026], %sign3A_1024 : memref<32x12xf32, #tpu.memory_space<vmem>>[vector<16xi32>, vector<16xi32>], vector<16xf32>,
      %mul3A_1027 = arith.constant 2 : i32
      %mul3A_1028 = arith.muli %mul3A_1027, %scan3A_47 : i32
      %add3A_1029 = arith.constant 1 : i32
      %add3A_1030 = arith.addi %mul3A_1028, %add3A_1029 : i32
      %mul3A_1031 = arith.constant 32 : i32
      %mul3A_1032 = arith.muli %add3A_1030, %mul3A_1031 : i32
      %add3A_1033 = arith.addi %add3A, %mul3A_1032 : i32
      %rem3A_1034 = arith.constant 5000 : i32
      %rem3A_1035 = arith.remsi %add3A_1033, %rem3A_1034 : i32
      %mul3A_1036 = arith.constant 32 : i32
      %mul3A_1037 = arith.muli %rem3A_1035, %mul3A_1036 : i32
      %dma_start3A_1038 = arith.constant 0 : i32
      %dma_start3A_1039 = tpu.memref_slice %arg7[%mul3A_1037, %dma_start3A_1038] : memref<160000x524xf32, #tpu.memory_space<hbm>> -> memref<32x512xf32, #tpu.memory_space<hbm>>
      %dma_start3A_1040 = arith.constant 0 : i32
      %dma_start3A_1041 = tpu.memref_slice %arg7[%mul3A_1037, %dma_start3A_1040] : memref<160000x524xf32, #tpu.memory_space<hbm>> -> memref<32x512xf32, #tpu.memory_space<hbm>>
      tpu.enqueue_dma source(%arg13 : memref<32x512xf32, #tpu.memory_space<vmem>>) target(%dma_start3A_1041 : memref<32x512xf32, #tpu.memory_space<hbm>>) target_semaphore(%arg22 : memref<!tpu.dma_semaphore, #tpu.memory_space<semaphore_mem>>)
      %dma_start3A_1042 = arith.constant 512 : i32
      %dma_start3A_1043 = tpu.memref_slice %arg7[%mul3A_1037, %dma_start3A_1042] : memref<160000x524xf32, #tpu.memory_space<hbm>> -> memref<32x12xf32, #tpu.memory_space<hbm>>
      %dma_start3A_1044 = arith.constant 512 : i32
      %dma_start3A_1045 = tpu.memref_slice %arg7[%mul3A_1037, %dma_start3A_1044] : memref<160000x524xf32, #tpu.memory_space<hbm>> -> memref<32x12xf32, #tpu.memory_space<hbm>>
      tpu.enqueue_dma source(%arg15 : memref<32x12xf32, #tpu.memory_space<vmem>>) target(%dma_start3A_1045 : memref<32x12xf32, #tpu.memory_space<hbm>>) target_semaphore(%arg22 : memref<!tpu.dma_semaphore, #tpu.memory_space<semaphore_mem>>)
      %add3A_1046 = arith.constant 1 : i32
      %add3A_1047 = arith.addi %scan3A_47, %add3A_1046 : i32
      %lt3A_1048 = arith.constant 79 : i32
      %lt3A_1049 = arith.cmpi slt, %add3A_1047, %lt3A_1048 : i32
      %convert_element_type3A_1050 = arith.extui %lt3A_1049 : i1 to i32
      %cond3A_1051 = arith.constant 0 : i32
      %cond3A_1052 = arith.cmpi ne, %convert_element_type3A_1050, %cond3A_1051 : i32
      scf.if %cond3A_1052 {
        %add3A_1053 = arith.constant 1 : i32
        %add3A_1054 = arith.addi %scan3A_47, %add3A_1053 : i32
        %mul3A_1055 = arith.constant 2 : i32
        %mul3A_1056 = arith.muli %mul3A_1055, %add3A_1054 : i32
        %add3A_1057 = arith.constant 1 : i32
        %add3A_1058 = arith.addi %mul3A_1056, %add3A_1057 : i32
        %mul3A_1059 = arith.constant 32 : i32
        %mul3A_1060 = arith.muli %add3A_1058, %mul3A_1059 : i32
        %add3A_1061 = arith.addi %add3A, %mul3A_1060 : i32
        %rem3A_1062 = arith.constant 5000 : i32
        %rem3A_1063 = arith.remsi %add3A_1061, %rem3A_1062 : i32
        %mul3A_1064 = arith.constant 32 : i32
        %mul3A_1065 = arith.muli %rem3A_1063, %mul3A_1064 : i32
        %dma_start3A_1066 = tpu.memref_slice %arg5[%mul3A_1065] : memref<160000xi32, #tpu.memory_space<hbm>> -> memref<32xi32, #tpu.memory_space<hbm>>
        %dma_start3A_1067 = tpu.memref_slice %arg5[%mul3A_1065] : memref<160000xi32, #tpu.memory_space<hbm>> -> memref<32xi32, #tpu.memory_space<hbm>>
        tpu.enqueue_dma source(%dma_start3A_1067 : memref<32xi32, #tpu.memory_space<hbm>>) target(%arg10 : memref<32xi32, #tpu.memory_space<vmem>>) target_semaphore(%arg18 : memref<!tpu.dma_semaphore, #tpu.memory_space<semaphore_mem>>)
        %dma_start3A_1068 = tpu.memref_slice %arg6[%mul3A_1065] : memref<160000xi32, #tpu.memory_space<hbm>> -> memref<32xi32, #tpu.memory_space<hbm>>
        %dma_start3A_1069 = tpu.memref_slice %arg6[%mul3A_1065] : memref<160000xi32, #tpu.memory_space<hbm>> -> memref<32xi32, #tpu.memory_space<hbm>>
        tpu.enqueue_dma source(%dma_start3A_1069 : memref<32xi32, #tpu.memory_space<hbm>>) target(%arg11 : memref<32xi32, #tpu.memory_space<vmem>>) target_semaphore(%arg18 : memref<!tpu.dma_semaphore, #tpu.memory_space<semaphore_mem>>)
      } else {
      }
    }
    %scan3A_23 = arith.constant 79 : i32
    %dma_wait3A = arith.constant 0 : i32
    %dma_wait3A_24 = arith.constant 0 : i32
    %dma_wait3A_25 = tpu.memref_slice %arg7[%dma_wait3A, %dma_wait3A_24] : memref<160000x524xf32, #tpu.memory_space<hbm>> -> memref<32x512xf32, #tpu.memory_space<hbm>>
    %dma_wait3A_26 = arith.constant 0 : i32
    %dma_wait3A_27 = arith.constant 0 : i32
    %dma_wait3A_28 = tpu.memref_slice %arg7[%dma_wait3A_26, %dma_wait3A_27] : memref<160000x524xf32, #tpu.memory_space<hbm>> -> memref<32x512xf32, #tpu.memory_space<hbm>>
    tpu.wait_dma2 semaphore(%arg21 : memref<!tpu.dma_semaphore, #tpu.memory_space<semaphore_mem>>) src(%arg12 : memref<32x512xf32, #tpu.memory_space<vmem>>) dst(%dma_wait3A_28 : memref<32x512xf32, #tpu.memory_space<hbm>>)
    %dma_wait3A_29 = arith.constant 0 : i32
    %dma_wait3A_30 = arith.constant 512 : i32
    %dma_wait3A_31 = tpu.memref_slice %arg7[%dma_wait3A_29, %dma_wait3A_30] : memref<160000x524xf32, #tpu.memory_space<hbm>> -> memref<32x12xf32, #tpu.memory_space<hbm>>
    %dma_wait3A_32 = arith.constant 0 : i32
    %dma_wait3A_33 = arith.constant 512 : i32
    %dma_wait3A_34 = tpu.memref_slice %arg7[%dma_wait3A_32, %dma_wait3A_33] : memref<160000x524xf32, #tpu.memory_space<hbm>> -> memref<32x12xf32, #tpu.memory_space<hbm>>
    tpu.wait_dma2 semaphore(%arg21 : memref<!tpu.dma_semaphore, #tpu.memory_space<semaphore_mem>>) src(%arg14 : memref<32x12xf32, #tpu.memory_space<vmem>>) dst(%dma_wait3A_34 : memref<32x12xf32, #tpu.memory_space<hbm>>)
    %dma_wait3A_35 = arith.constant 0 : i32
    %dma_wait3A_36 = arith.constant 0 : i32
    %dma_wait3A_37 = tpu.memref_slice %arg7[%dma_wait3A_35, %dma_wait3A_36] : memref<160000x524xf32, #tpu.memory_space<hbm>> -> memref<32x512xf32, #tpu.memory_space<hbm>>
    %dma_wait3A_38 = arith.constant 0 : i32
    %dma_wait3A_39 = arith.constant 0 : i32
    %dma_wait3A_40 = tpu.memref_slice %arg7[%dma_wait3A_38, %dma_wait3A_39] : memref<160000x524xf32, #tpu.memory_space<hbm>> -> memref<32x512xf32, #tpu.memory_space<hbm>>
    tpu.wait_dma2 semaphore(%arg22 : memref<!tpu.dma_semaphore, #tpu.memory_space<semaphore_mem>>) src(%arg13 : memref<32x512xf32, #tpu.memory_space<vmem>>) dst(%dma_wait3A_40 : memref<32x512xf32, #tpu.memory_space<hbm>>)
    %dma_wait3A_41 = arith.constant 0 : i32
    %dma_wait3A_42 = arith.constant 512 : i32
    %dma_wait3A_43 = tpu.memref_slice %arg7[%dma_wait3A_41, %dma_wait3A_42] : memref<160000x524xf32, #tpu.memory_space<hbm>> -> memref<32x12xf32, #tpu.memory_space<hbm>>
    %dma_wait3A_44 = arith.constant 0 : i32
    %dma_wait3A_45 = arith.constant 512 : i32
    %dma_wait3A_46 = tpu.memref_slice %arg7[%dma_wait3A_44, %dma_wait3A_45] : memref<160000x524xf32, #tpu.memory_space<hbm>> -> memref<32x12xf32, #tpu.memory_space<hbm>>
    tpu.wait_dma2 semaphore(%arg22 : memref<!tpu.dma_semaphore, #tpu.memory_space<semaphore_mem>>) src(%arg15 : memref<32x12xf32, #tpu.memory_space<vmem>>) dst(%dma_wait3A_46 : memref<32x12xf32, #tpu.memory_space<hbm>>)
    return
  }
}

module attributes {stable_mosaic.version = 14 : i64} {
  func.func @body(%arg0: i32, %arg1: memref<1000x262xf32, #tpu.memory_space<vmem>>, %arg2: memref<1000x260xf32, #tpu.memory_space<vmem>>, %arg3: memref<1000x256xf32, #tpu.memory_space<vmem>>, %arg4: memref<1000x256xf32, #tpu.memory_space<vmem>>, %arg5: memref<1000x8xf32, #tpu.memory_space<vmem>>) attributes {dimension_semantics = [#tpu.dimension_semantics<arbitrary>], iteration_bounds = array<i64: 10>, scalar_prefetch = 0 : i64, scratch_operands = 0 : i64, tpu.core_type = #tpu.core_type<tc>, window_params = [{transform_indices = @transform_0, window_bounds = array<i64: 1000, 262>}, {transform_indices = @transform_1, window_bounds = array<i64: 1000, 260>}, {transform_indices = @transform_2, window_bounds = array<i64: 1000, 256>}, {transform_indices = @transform_3, window_bounds = array<i64: 1000, 256>}, {transform_indices = @transform_4, window_bounds = array<i64: 1000, 8>}]} {
    %get3A = arith.constant 0 : index
    %get3A_0 = arith.constant 0 : index
    %get3A_1 = vector.load %arg1[%get3A, %get3A_0] : memref<1000x262xf32, #tpu.memory_space<vmem>>, vector<1000x262xf32>
    %slice3A = vector.extract_strided_slice %get3A_1 {offsets = [0, 0], sizes = [1000, 256], strides = [1, 1]} : vector<1000x262xf32> to vector<1000x256xf32>
    %slice3A_2 = vector.extract_strided_slice %get3A_1 {offsets = [0, 256], sizes = [1000, 1], strides = [1, 1]} : vector<1000x262xf32> to vector<1000x1xf32>
    %slice3A_3 = vector.extract_strided_slice %get3A_1 {offsets = [0, 257], sizes = [1000, 1], strides = [1, 1]} : vector<1000x262xf32> to vector<1000x1xf32>
    %concatenate3A = tpu.concatenate %slice3A_2, %slice3A_3, %slice3A_2, %slice3A_3 in 1 : vector<1000x1xf32>, vector<1000x1xf32>, vector<1000x1xf32>, vector<1000x1xf32> -> vector<1000x4xf32>
    %max3A = arith.constant 1.000000e+00 : f32
    %max3A_4 = vector.broadcast %max3A : f32 to vector<1000x4xf32>
    %max3A_5 = arith.maximumf %concatenate3A, %max3A_4 : vector<1000x4xf32>
    %slice3A_6 = vector.extract_strided_slice %get3A_1 {offsets = [0, 258], sizes = [1000, 4], strides = [1, 1]} : vector<1000x262xf32> to vector<1000x4xf32>
    %div3A = arith.divf %slice3A_6, %max3A_5 : vector<1000x4xf32>
    %concatenate3A_7 = tpu.concatenate %slice3A, %div3A in 1 : vector<1000x256xf32>, vector<1000x4xf32> -> vector<1000x260xf32>
    %swap3A = arith.constant 0 : index
    %swap3A_8 = arith.constant 0 : index
    %swap3A_9 = vector.load %arg2[%swap3A, %swap3A_8] : memref<1000x260xf32, #tpu.memory_space<vmem>>, vector<1000x260xf32>
    tpu.vector_store %arg2[%swap3A, %swap3A_8], %concatenate3A_7 {strides = array<i32>} : memref<1000x260xf32, #tpu.memory_space<vmem>>, vector<1000x260xf32>,
    %swap3A_10 = arith.constant 0 : index
    %swap3A_11 = arith.constant 0 : index
    %swap3A_12 = vector.load %arg3[%swap3A_10, %swap3A_11] : memref<1000x256xf32, #tpu.memory_space<vmem>>, vector<1000x256xf32>
    tpu.vector_store %arg3[%swap3A_10, %swap3A_11], %slice3A {strides = array<i32>} : memref<1000x256xf32, #tpu.memory_space<vmem>>, vector<1000x256xf32>,
    %broadcast_in_dim3A = arith.constant 0.000000e+00 : f32
    %broadcast_in_dim3A_13 = vector.broadcast %broadcast_in_dim3A : f32 to vector<1000x4xf32>
    %slice3A_14 = vector.extract_strided_slice %slice3A {offsets = [0, 0], sizes = [1000, 252], strides = [1, 1]} : vector<1000x256xf32> to vector<1000x252xf32>
    %concatenate3A_15 = tpu.concatenate %broadcast_in_dim3A_13, %slice3A_14 in 1 : vector<1000x4xf32>, vector<1000x252xf32> -> vector<1000x256xf32>
    %swap3A_16 = arith.constant 0 : index
    %swap3A_17 = arith.constant 0 : index
    %swap3A_18 = vector.load %arg4[%swap3A_16, %swap3A_17] : memref<1000x256xf32, #tpu.memory_space<vmem>>, vector<1000x256xf32>
    tpu.vector_store %arg4[%swap3A_16, %swap3A_17], %concatenate3A_15 {strides = array<i32>} : memref<1000x256xf32, #tpu.memory_space<vmem>>, vector<1000x256xf32>,
    %slice3A_19 = vector.extract_strided_slice %slice3A {offsets = [0, 252], sizes = [1000, 4], strides = [1, 1]} : vector<1000x256xf32> to vector<1000x4xf32>
    %concatenate3A_20 = tpu.concatenate %slice3A_19, %div3A in 1 : vector<1000x4xf32>, vector<1000x4xf32> -> vector<1000x8xf32>
    %swap3A_21 = arith.constant 0 : index
    %swap3A_22 = arith.constant 0 : index
    %swap3A_23 = vector.load %arg5[%swap3A_21, %swap3A_22] : memref<1000x8xf32, #tpu.memory_space<vmem>>, vector<1000x8xf32>
    tpu.vector_store %arg5[%swap3A_21, %swap3A_22], %concatenate3A_20 {strides = array<i32>} : memref<1000x8xf32, #tpu.memory_space<vmem>>, vector<1000x8xf32>,
    return
  }
  func.func @transform_0(%arg0: i32) -> (i32, i32) {
    %c0_i32 = arith.constant 0 : i32
    %c0_i32_0 = arith.constant 0 : i32
    return %arg0, %c0_i32 : i32, i32
  }
  func.func @transform_1(%arg0: i32) -> (i32, i32) {
    %c0_i32 = arith.constant 0 : i32
    %c0_i32_0 = arith.constant 0 : i32
    return %arg0, %c0_i32 : i32, i32
  }
  func.func @transform_2(%arg0: i32) -> (i32, i32) {
    %c0_i32 = arith.constant 0 : i32
    %c0_i32_0 = arith.constant 0 : i32
    return %arg0, %c0_i32 : i32, i32
  }
  func.func @transform_3(%arg0: i32) -> (i32, i32) {
    %c0_i32 = arith.constant 0 : i32
    %c0_i32_0 = arith.constant 0 : i32
    return %arg0, %c0_i32 : i32, i32
  }
  func.func @transform_4(%arg0: i32) -> (i32, i32) {
    %c0_i32 = arith.constant 0 : i32
    %c0_i32_0 = arith.constant 0 : i32
    return %arg0, %c0_i32 : i32, i32
  }
}

</mosaic_0001>

<sc_bundles>
// kernel: kernel.4.cloned.1.call-start
scs
__scs_entry_jumppad:
0x0: {  	(pc) =	sbr.rel $0x88, $3  }
0x1: {  	(tag) =	ssettag $0x0;
	lr =	simm.s32 $0x1  }
0x2: {  	[smem:$0x3F9E] =	sst lr;
	_ =	strace $0xD0000000  }
0x3: {  	_ = 	snop  }
0x4: {  	_ = 	snop  }
0x5: {  	_ = 	snop  }
0x6: {  	_ = 	snop  }
0x7: {  	_ = 	snop  }
__scs_overlays_trampoline_lowered:
0x8: {  	[smem:$0x3FAD] =	sst s0  }
0x9: {  	[smem:$0x3FAE] =	sst s1  }
0xa: {  	[smem:$0x3FAF] =	sst s2  }
0xb: {  	[smem:$0x3FB0] =	sst s3  }
0xc: {  	[smem:$0x3FB1] =	sst s4  }
0xd: {  	[smem:$0x3FB2] =	sst s5  }
0xe: {  	[smem:$0x3FB3] =	sst s6  }
0xf: {  	[smem:$0x3FB4] =	sst s7  }
0x10: {  	[smem:$0x3FB5] =	sst s8  }
0x11: {  	[smem:$0x3FB6] =	sst s9;
	s0 =	simm.s32 @!p0 $0x0  }
0x12: {  	s1 =	sld [smem:$0x3F9C];
	s0 =	simm.s32 @p0 $0x1  }
0x13: {  	[smem:$0x3FB7] =	sst s0;
	s0 =	simm.s32 @!p1 $0x0  }
0x14: {  	s2 =	sld [smem:$0x3F9B];
	s0 =	simm.s32 @p1 $0x1  }
0x15: {  	[smem:$0x3FB8] =	sst s0;
	s0 =	simm.s32 @!p2 $0x0  }
0x16: {  	s3 =	sld [smem:$0x3FDB];
	s0 =	simm.s32 @p2 $0x1  }
0x17: {  	s4 =	simm.s32 $0x1BF5;
	[smem:$0x3FBA] =	sst s0  }
0x18: {  	s0 =	sld [smem:$0x3F9D];
	_ =	swait.ge [sflag:s4], $0x0  }
0x19: {  	s7 =	sld [smem:$0x3F9E]  }
0x1a: {  	s8 =	sadd.s32 $0xFFFFE003, lr  }
0x1b: {  	s9 =	sadd.s32 $0xFFFFFEF7, lr;
	s5 =	simm.s32 $0xFFFFFFFF;
	p2 =	slt.u32 s8, $0xFFFFF086  }
0x1c: {  	p1 =	slt.u32 s9, $0xF7A;
	s5 =	simm.s32 @!p2 $0x0  }
0x1d: {  	s5 =	simm.s32 @p1 $0x1;
	p0 =	seq.s32 s7, s2  }
0x1e: {  	s7 =	smul.u32 @!p0 $0xF7A, s2;
	p2 =	seq.s32 @!p0 s5, $0x0  }
0x1f: {  	s9 =	smul.u32 $0xF7A, s1;
	s8 =	simm.s32 @!p0 $0x1BF5;
	p2 =	por !p2, p0  }
0x20: {  	[sflag:s8] =	ssyncset.s32 @!p0 $0xFFFFF086;
	s6 =	sadd.s32 @!p0 s3, s7;
	s7 =	simm.s32 @!p0 $0x108  }
0x21: {  	s3 =	sadd.s32 s3, s9;
	s6 =	sadd.s32 @!p0 $0x88, s6;
	s7 =	simm.s32 @p2 $0x1082  }
0x22: {  	[simem:s7], [sflag:s8] =	dma.local @!p0 [hbm:s6], $0xF7A  }
0x23: {  	s9 =	sor.u32 $0xD0000000, s2;
	s6 =	simm.s32 $0x108;
	_ =	swait.ge @!p0 [sflag:s8], $0x0  }
0x24: {  	s3 =	sadd.s32 $0x88, s3;
	s6 =	simm.s32 @!p1 $0x1082;
	[sflag:s4] =	ssyncset.s32 $0xFFFFF086  }
0x25: {  	[simem:s6], [sflag:s4] =	dma.local [hbm:s3], $0xF7A  }
0x26: {  	[smem:$0x3F9E] =	sst s1;
	(tag) =	ssettag s2;
	_ =	strace s9  }
0x27: {  	s1 =	sld [smem:$0x3FAE]  }
0x28: {  	s2 =	sld [smem:$0x3FAF]  }
0x29: {  	s4 =	sld [smem:$0x3FB1]  }
0x2a: {  	p0 =	seq.s32 s5, $0x0;
	s5 =	sld [smem:$0x3FB2]  }
0x2b: {  	s6 =	sld [smem:$0x3FB3]  }
0x2c: {  	s7 =	sld [smem:$0x3FB4]  }
0x2d: {  	s3 =	simm.s32 $0x108;
	s8 =	sld [smem:$0x3FB5]  }
0x2e: {  	s3 =	simm.s32 @!p0 $0x1082;
	s9 =	sld [smem:$0x3FB6]  }
0x2f: {  	lr =	sadd.s32 s0, s3;
	s0 =	sld [smem:$0x3FAD]  }
0x30: {  	s3 =	sld [smem:$0x3FB0]  }
0x31: {  	[smem:$0x3FB9] =	sst s10  }
0x32: {  	s10 =	sld [smem:$0x3FB7];
	_ =	sdelay $0x3  }
0x33: {  	p0 =	seq.s32 s10, $0x1;
	s10 =	sld [smem:$0x3FB9];
	_ =	sdelay $0x3  }
0x34: {  	[smem:$0x3FB9] =	sst s10  }
0x35: {  	s10 =	sld [smem:$0x3FB8];
	_ =	sdelay $0x3  }
0x36: {  	p1 =	seq.s32 s10, $0x1;
	s10 =	sld [smem:$0x3FB9];
	_ =	sdelay $0x3  }
0x37: {  	[smem:$0x3FB9] =	sst s10  }
0x38: {  	s10 =	sld [smem:$0x3FBA]  }
0x39: {  	_ = 	snop;
	(pc) =	sbr.ind lr, $3  }
0x3a: {  	_ = 	snop  }
0x3b: {  	_ = 	snop  }
0x3c: {  	p2 =	seq.s32 s10, $0x1;
	s10 =	sld [smem:$0x3FB9]  }
0x3d: {  	_ =	shalt  }
0x3e: {  	_ =	shalt  }
0x3f: {  	_ =	shalt  }
0x40: {  	_ =	shalt  }
0x41: {  	_ =	shalt  }
0x42: {  	_ =	shalt  }
0x43: {  	_ =	shalt  }
0x44: {  	_ =	shalt  }
0x45: {  	_ =	shalt  }
0x46: {  	_ =	shalt  }
0x47: {  	_ =	shalt  }
0x48: {  	_ =	shalt  }
0x49: {  	_ =	shalt  }
0x4a: {  	_ =	shalt  }
0x4b: {  	_ =	shalt  }
0x4c: {  	_ =	shalt  }
0x4d: {  	_ =	shalt  }
0x4e: {  	_ =	shalt  }
0x4f: {  	_ =	shalt  }
0x50: {  	_ =	shalt  }
0x51: {  	_ =	shalt  }
0x52: {  	_ =	shalt  }
0x53: {  	_ =	shalt  }
0x54: {  	_ =	shalt  }
0x55: {  	_ =	shalt  }
0x56: {  	_ =	shalt  }
0x57: {  	_ =	shalt  }
0x58: {  	_ =	shalt  }
0x59: {  	_ =	shalt  }
0x5a: {  	_ =	shalt  }
0x5b: {  	_ =	shalt  }
0x5c: {  	_ =	shalt  }
0x5d: {  	_ =	shalt  }
0x5e: {  	_ =	shalt  }
0x5f: {  	_ =	shalt  }
0x60: {  	_ =	shalt  }
0x61: {  	_ =	shalt  }
0x62: {  	_ =	shalt  }
0x63: {  	_ =	shalt  }
0x64: {  	_ =	shalt  }
0x65: {  	_ =	shalt  }
0x66: {  	_ =	shalt  }
0x67: {  	_ =	shalt  }
0x68: {  	_ =	shalt  }
0x69: {  	_ =	shalt  }
0x6a: {  	_ =	shalt  }
0x6b: {  	_ =	shalt  }
0x6c: {  	_ =	shalt  }
0x6d: {  	_ =	shalt  }
0x6e: {  	_ =	shalt  }
0x6f: {  	_ =	shalt  }
0x70: {  	_ =	shalt  }
0x71: {  	_ =	shalt  }
0x72: {  	_ =	shalt  }
0x73: {  	_ =	shalt  }
0x74: {  	_ =	shalt  }
0x75: {  	_ =	shalt  }
0x76: {  	_ =	shalt  }
0x77: {  	_ =	shalt  }
0x78: {  	_ =	shalt  }
0x79: {  	_ =	shalt  }
0x7a: {  	_ =	shalt  }
0x7b: {  	_ =	shalt  }
0x7c: {  	_ =	shalt  }
0x7d: {  	_ =	shalt  }
0x7e: {  	_ =	shalt  }
0x7f: {  	_ =	shalt  }
0x80: {  	_ =	shalt  }
0x81: {  	_ =	shalt  }
0x82: {  	_ =	shalt  }
0x83: {  	_ =	shalt  }
0x84: {  	_ =	shalt  }
0x85: {  	_ =	shalt  }
0x86: {  	_ =	shalt  }
0x87: {  	_ =	shalt  }
.Lfunc_end0:
.L_simem_size_0:
called_computation_lowered:
.L_overlay_start_0:
0x88: {  	s2 =	sld [smem:$0x3FD9]  }
0x89: {  	s3 =	sld [smem:$0x3FFE];
	_ =	sdelay $0x1  }
0x8a: {  	s1 =	srdreg.scid  }
0x8b: {  	s0 =	sand.u32 $0x1, s1  }
0x8c: {  	s14 =	sshll.u32 s0, $0xA;
	s2 =	sadd.s32 s3, s2  }
0x8d: {  	s2 =	sadd.s32 s2, s14  }
0x8e: {  	[smem:$0x3FC5] =	sst s2  }
0x8f: {  	_ = 	snop  }
0x90: {  	s2 =	sld [smem:$0x3FD0];
	_ =	sdelay $0x1  }
0x91: {  	s15 =	sld [smem:$0x3FC8]  }
0x92: {  	s5 =	simm.s32 $0xA;
	s6 =	simm.s32 $0x10;
	s4 =	sld [smem:$0x3FC7]  }
0x93: {  	[smem:s6], [sflag:s5] =	dma.local [hbm:s2], $0x1  }
0x94: {  	_ =	swait.eq [sflag:s5], $0x1  }
0x95: {  	[sflag:s5] =	ssyncset.done $0x0  }
0x96: {  	[sflag:s5] =	ssyncadd.s32 $0xFFFFFFFF  }
0x97: {  	s16 =	sld [smem:$0x11];
	(tm) =	ssettm $0x1  }
0x98: {  	s17 =	sld [smem:$0x3FFB];
	_ =	sdelay $0x3  }
0x99: {  	_ =	strace s17  }
0x9a: {  	s5 =	sld [smem:$0x3FFC];
	_ =	sdelay $0x3  }
0x9b: {  	_ =	strace s5  }
0x9c: {  	s5 =	sld [smem:$0x3FFD];
	_ =	sdelay $0x3  }
0x9d: {  	_ =	strace s5  }
0x9e: {  	_ =	strace $0x8FFFFFFF  }
0x9f: {  	s18 =	sld [smem:$0x3FDB];
	_ =	sdelay $0x1  }
0xa0: {  	s19 =	simm.s32 $_scs_section_size  }
0xa1: {  	s7 =	simm.s32 $_size__tile_overlayer_lowered;
	s8 =	simm.s32 $_tile_overlayer_lowered  }
0xa2: {  	s22 =	simm.s32 $0x1BFF;
	s21 =	sshll.u32 s8, $0x1;
	s5 =	sadd.s32 s19, s18  }
0xa3: {  	s9 =	simm.s32 $0x0;
	s20 =	sshll.u32 s7, $0x1;
	s7 =	sadd.s32 s21, s5  }
0xa4: {  	[timem:s9], [sflag:s22] =	dma.local [hbm:s7], s20  }
0xa5: {  	_ =	swait.ge [sflag:s22], s20  }
0xa6: {  	s6 =	ssub.s32 $0x0, s20;
	[sflag:s22] =	ssyncset.done $0x0  }
0xa7: {  	[sflag:s22] =	ssyncadd.s32 s6;
	_ =	sdelay $0x1  }
0xa8: {  	s23 =	simm.s32 $0x1B8B  }
0xa9: {  	_ =	swait.ge [sflag:s23], $0x1  }
0xaa: {  	[sflag:s23] =	ssyncset.done $0x0  }
0xab: {  	s25 =	simm.s32 $0x1B8E;
	s24 =	sld [smem:$0x3FFE];
	[sflag:s23] =	ssyncadd.s32 $0xFFFFFFFF  }
0xac: {  	s26 =	simm.s32 $execute0_lowered;
	[smem:$0x3FD2] =	sst s25  }
0xad: {  	s7 =	sshll.u32 s26, $0x1;
	_ =	strace $0x80000046;
	[dreg:$0x1] =	wrdreg $0xFFFFFFFF  }
0xae: {  	s28 =	simm.s32 $_size_execute0_lowered;
	s5 =	sadd.s32 s5, s7;
	[dreg:$0x0] =	wrdreg $0x0  }
0xaf: {  	s7 =	sshll.u32 s28, $0x1;
	[dreg:$0x2] =	wrdreg s5  }
0xb0: {  	[dreg:$0x3] =	wrdreg s7  }
0xb1: {  	[dreg:$0x4] =	wrdreg $0xC0  }
0xb2: {  	_ =	task [dreg:s9], $0x5FFFF  }
0xb3: {  	[dreg:$0x1] =	wrdreg $0xFFFFFFFF  }
0xb4: {  	[dreg:$0x0] =	wrdreg $0x60  }
0xb5: {  	[dreg:$0x2] =	wrdreg s16  }
0xb6: {  	[dreg:$0x3] =	wrdreg s24  }
0xb7: {  	[dreg:$0x4] =	wrdreg s15  }
0xb8: {  	[dreg:$0x5] =	wrdreg s4  }
0xb9: {  	[dreg:$0x6] =	wrdreg $0x9  }
0xba: {  	_ =	task.clear_ibuf [dreg:s9], $0x7FFFF;
	_ =	strace $0x90000046  }
0xbb: {  	s29 =	simm.s32 $0x9;
	_ =	strace $0x80000048  }
0xbc: {  	_ =	swait.ge [sflag:s29], $0x1  }
0xbd: {  	[sflag:s29] =	ssyncadd.s32 $0xFFFFFFFF  }
0xbe: {  	_ =	strace $0x90000048  }
0xbf: {  	_ =	sfence  }
0xc0: {  	s30 =	sld [smem:$0x0];
	_ =	sdelay $0x2  }
0xc1: {  	s31 =	sshll.u32 s1, $0xD;
	s1 =	sshrl.u32 s1, $0x2  }
0xc2: {  	s3 =	sand.u32 $0x4000, s31;
	s1 =	sadd.s32 s1, s30  }
0xc3: {  	s0 =	sor.u32 s3, s0;
	s1 =	sshll.u32 s1, $0x11  }
0xc4: {  	s0 =	sor.u32 s1, s0  }
0xc5: {  	s0 =	sadd.s32 $0x8F2B, s0  }
0xc6: {  	[sflag:s0] =	ssyncadd.remote.s32 $0x1  }
0xc7: {  	_ =	sfence.sel $0xFFFF  }
0xc8: {  	[dreg:$0x0] =	wrdreg $0xFFFFFFFF;
	(pc) =	sbr.abs _section_cstart, $3  }
0xc9: {  	[dreg:$0x1] =	wrdreg $0xFFFFFFFF  }
0xca: {  	_ =	task.clear_ibuf [dreg:s9], $0x2FFFF;
	_ =	strace $0x9FFFFFFF  }
0xcb: {  	(tm) =	ssettm $0x7FFFFFFF  }
tec
execute0_lowered:
.L_overlay_start_1:
0x0: {  	(tag) =	ssettag $0x1  }
0x1: {  	v0 =	vimm.s32 $0x1B80  }
0x2: {  	vm15 =	vcmask $0x300;
	vm14 =	vcmask $0x704;
	v5 =	vlaneseq.u32  }
0x3: {  	vm13 =	vcmask $0xB08;
	vm12 =	vcmask $0xF0C;
	vm11 =	vcmask $0x1310  }
0x4: {  	vm10 =	vcmask $0x1714;
	vm0 =	vmmov $0xffff;
	vm9 =	vcmask $0x1B18  }
0x5: {  	vm8 =	vcmask $0x1F1C;
	vm7 =	vcmask $0x2320;
	vm6 =	vcmask $0x2724  }
0x6: {  	vm5 =	vcmask $0x2B28;
	vm4 =	vcmask $0x2F2C;
	vm3 =	vcmask $0x3330  }
0x7: {  	vm2 =	vcmask $0x3734;
	vm1 =	vcmask $0x3B38;
	v7 =	vimm.s32 $0x1B82  }
0x8: {  	v8 =	vimm.s32 $0x3B80;
	v17 =	vimm.f32 $1.000000000e+00;
	v21 =	vimm.s32 $0x3B81  }
0x9: {  	v22 =	vimm.s32 $0x3B82;
	v23 =	vimm.s32 $0x3B83;
	v0 =	vsel vm15, $0x800, v0  }
0xa: {  	v2 =	vshrl.u32 v5, $0x3;
	v8 =	vsel vm15, $0x2800, v8;
	v21 =	vsel vm15, $0x2801, v21  }
0xb: {  	v22 =	vsel vm15, $0x2802, v22;
	v23 =	vsel vm15, $0x2803, v23;
	v1 =	vsel vm14, $0x880, v0  }
0xc: {  	v0 =	vand.u32 $0x7, v5;
	v8 =	vsel vm14, $0x2880, v8;
	v21 =	vsel vm14, $0x2881, v21  }
0xd: {  	v22 =	vsel vm14, $0x2882, v22;
	v23 =	vsel vm14, $0x2883, v23;
	v1 =	vsel vm13, $0x900, v1  }
0xe: {  	v8 =	vsel vm13, $0x2900, v8;
	v21 =	vsel vm13, $0x2901, v21;
	v22 =	vsel vm13, $0x2902, v22  }
0xf: {  	v23 =	vsel vm13, $0x2903, v23;
	v3 =	vsel vm12, $0x980, v1;
	v1 =	vmul.u32 $0x8, v2  }
0x10: {  	v8 =	vsel vm12, $0x2980, v8;
	v21 =	vsel vm12, $0x2981, v21;
	v22 =	vsel vm12, $0x2982, v22  }
0x11: {  	v23 =	vsel vm12, $0x2983, v23;
	v2 =	vsel vm11, $0xA00, v3;
	v3 =	vimm.s32 $0x1B81  }
0x12: {  	v8 =	vsel vm11, $0x2A00, v8;
	v21 =	vsel vm11, $0x2A01, v21;
	v22 =	vsel vm11, $0x2A02, v22  }
0x13: {  	v23 =	vsel vm11, $0x2A03, v23;
	v2 =	vsel vm10, $0xA80, v2;
	v3 =	vsel vm15, $0x801, v3  }
0x14: {  	v8 =	vsel vm10, $0x2A80, v8;
	v21 =	vsel vm10, $0x2A81, v21;
	v22 =	vsel vm10, $0x2A82, v22  }
0x15: {  	v23 =	vsel vm10, $0x2A83, v23;
	v2 =	vsel vm9, $0xB00, v2;
	v3 =	vsel vm14, $0x881, v3  }
0x16: {  	v8 =	vsel vm9, $0x2B00, v8;
	v21 =	vsel vm9, $0x2B01, v21;
	v22 =	vsel vm9, $0x2B02, v22  }
0x17: {  	v23 =	vsel vm9, $0x2B03, v23;
	v2 =	vsel vm8, $0xB80, v2;
	v3 =	vsel vm13, $0x901, v3  }
0x18: {  	v9 =	vsel vm8, $0x2B80, v8;
	v21 =	vsel vm8, $0x2B81, v21;
	v22 =	vsel vm8, $0x2B82, v22  }
0x19: {  	v23 =	vsel vm8, $0x2B83, v23;
	v2 =	vsel vm7, $0x1800, v2;
	v3 =	vsel vm12, $0x981, v3  }
0x1a: {  	v11 =	vsel vm7, $0x3800, v9;
	v21 =	vsel vm7, $0x3801, v21;
	v22 =	vsel vm7, $0x3802, v22  }
0x1b: {  	v23 =	vsel vm7, $0x3803, v23;
	v2 =	vsel vm6, $0x1880, v2;
	v3 =	vsel vm11, $0xA01, v3  }
0x1c: {  	v13 =	vsel vm6, $0x3880, v11;
	v21 =	vsel vm6, $0x3881, v21;
	v22 =	vsel vm6, $0x3882, v22  }
0x1d: {  	v23 =	vsel vm6, $0x3883, v23;
	v2 =	vsel vm5, $0x1900, v2;
	v3 =	vsel vm10, $0xA81, v3  }
0x1e: {  	v15 =	vsel vm5, $0x3900, v13;
	v21 =	vsel vm5, $0x3901, v21;
	v22 =	vsel vm5, $0x3902, v22  }
0x1f: {  	v23 =	vsel vm5, $0x3903, v23;
	v2 =	vsel vm4, $0x1980, v2;
	v3 =	vsel vm9, $0xB01, v3  }
0x20: {  	v16 =	vsel vm4, $0x3980, v15;
	v21 =	vsel vm4, $0x3981, v21;
	v22 =	vsel vm4, $0x3982, v22  }
0x21: {  	v23 =	vsel vm4, $0x3983, v23;
	v4 =	vsel vm3, $0x1A00, v2;
	v2 =	vor.u32 $0x8, v5  }
0x22: {  	v6 =	vsel vm8, $0xB81, v3;
	v5 =	vmul.u32 $0x80, v5;
	v18 =	vsel vm3, $0x3A00, v16  }
0x23: {  	s0 =	rddreg [dreg:$0x0];
	v16 =	vand.u32 $0x7FFFFFFF, v17;
	v21 =	vsel vm3, $0x3A01, v21;
	v22 =	vsel vm3, $0x3A02, v22  }
0x24: {  	s5 =	rddreg [dreg:$0x1];
	v23 =	vsel vm3, $0x3A03, v23;
	v4 =	vsel vm2, $0x1A80, v4;
	v20 =	vsel vm2, $0x3A80, v18  }
0x25: {  	s1 =	rddreg [dreg:$0x2];
	v21 =	vsel vm2, $0x3A81, v21;
	v22 =	vsel vm2, $0x3A82, v22;
	v23 =	vsel vm2, $0x3A83, v23  }
0x26: {  	s3 =	rddreg [dreg:$0x3];
	s2 =	simm.s32 $0x0;
	v3 =	vsel vm1, $0x1B00, v4;
	v4 =	vsel vm7, $0x1801, v6;
	v6 =	vsel vm15, $0x802, v7  }
0x27: {  	s4 =	srdreg.scid;
	s10 =	stileid.u32;
	s31 =	simm.s32 $0x200;
	v7 =	vimm.s32 $0x1B83;
	v8 =	vor.u32 $0x1, v5;
	v9 =	vor.u32 $0x2, v5  }
0x28: {  	s28 =	simm.s32 $0x9200;
	s30 =	simm.s32 $0x1400;
	[smem:$0x7FF] =	sst s2;
	v10 =	vor.u32 $0x3, v5;
	v11 =	vor.u32 $0x4, v5;
	v12 =	vor.u32 $0x5, v5  }
0x29: {  	s6 =	sand.u32 $0x1, s4;
	s4 =	sadd.s32 $0x75E00, s5;
	s7 =	sshll.u32 s10, $0x1;
	v13 =	vor.u32 $0x6, v5;
	v14 =	vor.u32 $0x7, v5;
	v15 =	vor.u32 $0x8, v5  }
0x2a: {  	s9 =	sadd.s32 $0xC4000, s5;
	s20 =	smul.u32 $0xA000, s10;
	s22 =	sadd.s32 $0x180, s1;
	v17 =	vor.u32 $0x9, v5;
	v18 =	vor.u32 $0xA, v5;
	v19 =	vor.u32 $0xB, v5  }
0x2b: {  	s19 =	sshll.u32 s10, $0x3;
	s10 =	simm.s32 $0x4200;
	_ =	strace $0x80000047;
	v20 =	vsel vm1, $0x3B00, v20;
	v21 =	vsel vm1, $0x3B01, v21;
	v22 =	vsel vm1, $0x3B02, v22  }
0x2c: {  	s8 =	ssub.s32 $0x2, s6;
	[dreg:$0x5] =	wrdreg s9;
	s11 =	sor.u32 s6, s7;
	v23 =	vsel vm1, $0x3B03, v23;
	v24 =	vor.u32 $0x800, v5;
	v25 =	vor.u32 $0x801, v5  }
0x2d: {  	s7 =	sadd.s32 $0xC6800, s5;
	s18 =	sshll.u32 s6, $0x2;
	s6 =	smul.u32 $0x5000, s6;
	v26 =	vor.u32 $0x802, v5;
	v27 =	vor.u32 $0x803, v5;
	v7 =	vsel vm15, $0x803, v7  }
0x2e: {  	[dreg:$0xd] =	wrdreg s22;
	s9 =	simm.s32 $0x2;
	s12 =	sshrl.u32 s8, $0x1;
	v28 =	vor.u32 $0x804, v5;
	v6 =	vsel vm14, $0x882, v6;
	v7 =	vsel vm14, $0x883, v7  }
0x2f: {  	s14 =	sshll.u32 s11, $0x2;
	s21 =	sor.u32 $0x60, s11;
	s23 =	sor.u32 $0x40, s11;
	v29 =	vor.u32 $0x805, v5;
	v6 =	vsel vm13, $0x902, v6;
	v7 =	vsel vm13, $0x903, v7  }
0x30: {  	[dreg:$0x6] =	wrdreg s11;
	s25 =	sor.u32 $0x20, s11;
	s13 =	ssub.s32 s8, s12;
	v30 =	vor.u32 $0x806, v5;
	v6 =	vsel vm12, $0x982, v6;
	v7 =	vsel vm12, $0x983, v7  }
0x31: {  	s15 =	sadd.s32 s1, s14;
	s16 =	sadd.s32 s3, s14;
	[dreg:$0xc] =	wrdreg s21;
	v31 =	vor.u32 $0x807, v5;
	v6 =	vsel vm11, $0xA02, v6;
	v7 =	vsel vm11, $0xA03, v7  }
0x32: {  	s8 =	sor.u32 $0x80, s14;
	[dreg:$0xe] =	wrdreg s23;
	s24 =	sadd.s32 s6, s20;
	v32 =	vor.u32 $0x808, v5;
	v6 =	vsel vm10, $0xA82, v6;
	v7 =	vsel vm10, $0xA83, v7  }
0x33: {  	s21 =	sadd.s32 $0x100, s1;
	[dreg:$0x10] =	wrdreg s25;
	s29 =	smul.u32 $0x5000, s25;
	v33 =	vor.u32 $0x809, v5;
	v6 =	vsel vm9, $0xB02, v6;
	v7 =	vsel vm9, $0xB03, v7  }
0x34: {  	s23 =	simm.s32 $0x2200;
	s25 =	simm.s32 $0x3200;
	[dreg:$0x7] =	wrdreg s15;
	v34 =	vor.u32 $0x80A, v5;
	v6 =	vsel vm8, $0xB82, v6;
	v7 =	vsel vm8, $0xB83, v7  }
0x35: {  	s20 =	simm.s32 $0x3;
	s6 =	simm.s32 $0x8200;
	[dreg:$0x8] =	wrdreg s16;
	v35 =	vor.u32 $0x80B, v5;
	v6 =	vsel vm7, $0x1802, v6;
	v7 =	vsel vm7, $0x1803, v7  }
0x36: {  	s17 =	sadd.s32 s1, s8;
	s8 =	sadd.s32 s3, s8;
	[dreg:$0xf] =	wrdreg s24;
	v4 =	vsel vm6, $0x1881, v4;
	v6 =	vsel vm6, $0x1882, v6;
	v7 =	vsel vm6, $0x1883, v7  }
0x37: {  	s5 =	smax.u32 s13, $0x1;
	s16 =	sadd.s32 $0x180, s3;
	[dreg:$0x9] =	wrdreg s17;
	v4 =	vsel vm5, $0x1901, v4;
	v6 =	vsel vm5, $0x1902, v6;
	v7 =	vsel vm5, $0x1903, v7  }
0x38: {  	s15 =	sor.u32 s18, s19;
	s26 =	sadd.s32 $0xA1000, s24;
	[dreg:$0xa] =	wrdreg s8;
	v4 =	vsel vm4, $0x1981, v4;
	v6 =	vsel vm4, $0x1982, v6;
	v7 =	vsel vm4, $0x1983, v7  }
0x39: {  	s24 =	simm.s32 $0xA200;
	s1 =	simm.s32 $0x1;
	[dreg:$0xb] =	wrdreg s5;
	v4 =	vsel vm3, $0x1A01, v4;
	v6 =	vsel vm3, $0x1A02, v6;
	v7 =	vsel vm3, $0x1A03, v7  }
0x3a: {  	s13 =	simm.s32 $0x1200;
	s17 =	sadd.s32 $0x100, s3;
	[dreg:$0x11] =	wrdreg s26;
	v4 =	vsel vm2, $0x1A81, v4;
	v6 =	vsel vm2, $0x1A82, v6;
	v7 =	vsel vm2, $0x1A83, v7  }
0x3b: {  	[dreg:$0x12] =	wrdreg s29;
	s26 =	simm.s32 $0x4;
	s8 =	simm.s32 $0x0;
	v4 =	vsel vm1, $0x1B01, v4;
	v6 =	vsel vm1, $0x1B02, v6;
	v7 =	vsel vm1, $0x1B03, v7  }
.LBB2_1:
0x3c: {  	[dreg:$0x13] =	wrdreg s8  }
0x3d: {  	s5 =	rddreg [dreg:$0x5];
	s3 =	simm.s32 $0x7  }
0x3e: {  	[tilespmem:s24], [sflag:$0x7] =	stream.linear.gather [hbm4b:s5+s2], $0x13880, $0x38;
	[tilespmem:$0x1DA80] =	vst v63  }
0x3f: {  	_ =	swait.ge [sflag:s3], $0x13880  }
0x40: {  	s8 =	rddreg [dreg:$0x7]  }
0x41: {  	s11 =	rddreg [dreg:$0x8]  }
0x42: {  	s14 =	rddreg [dreg:$0x9]  }
0x43: {  	s19 =	rddreg [dreg:$0xa]  }
0x44: {  	[sflag:s3] =	ssyncset.done $0x0;
	s29 =	rddreg [dreg:$0x6]  }
0x45: {  	s5 =	rddreg [dreg:$0xf];
	[sflag:s3] =	ssyncadd.s32 $0xFFFEC780  }
0x46: {  	[tilespmem:s2], [sflag:$0x1] =	stream.linear.gather [hbm4b:s8+s2], $0x20, $0x38;
	[tilespmem:$0x1DA80] =	vst v63  }
0x47: {  	s12 =	simm.s32 $0x80;
	s8 =	rddreg [dreg:$0x12]  }
0x48: {  	[tilespmem:s12], [sflag:$0x1] =	stream.linear.gather [hbm4b:s11+s2], $0x20, $0x38;
	[tilespmem:$0x1DA80] =	vst v63  }
0x49: {  	s11 =	rddreg [dreg:$0x10]  }
0x4a: {  	s18 =	simm.s32 $0x100;
	s12 =	rddreg [dreg:$0x11]  }
0x4b: {  	[tilespmem:s18], [sflag:$0x2] =	stream.linear.gather [hbm4b:s14+s2], $0x20, $0x38;
	[tilespmem:$0x1DA80] =	vst v63  }
0x4c: {  	s22 =	simm.s32 $0x180;
	s14 =	rddreg [dreg:$0xe]  }
0x4d: {  	[tilespmem:s22], [sflag:$0x2] =	stream.linear.gather [hbm4b:s19+s2], $0x20, $0x38;
	[tilespmem:$0x1DA80] =	vst v63  }
0x4e: {  	s18 =	rddreg [dreg:$0xc];
	s22 =	simm.s32 $0x0  }
.LBB2_2:
0x4f: {  	_ =	swait.ge [sflag:s1], $0x20  }
0x50: {  	[sflag:s1] =	ssyncset.done $0x0  }
0x51: {  	[sflag:s1] =	ssyncadd.s32 $0xFFFFFFE0  }
0x52: {  	_ =	swait.ge [sflag:s1], $0x20  }
0x53: {  	p0 =	seq.s32 s22, $0x0;
	[sflag:s1] =	ssyncset.done $0x0  }
0x54: {  	s19 =	simm.s32 @!p0 $0x5;
	[sflag:s1] =	ssyncadd.s32 $0xFFFFFFE0  }
0x55: {  	_ =	swait.ge @!p0 [sflag:s19], $0x4000  }
0x56: {  	[sflag:s19] =	ssyncset.done @!p0 $0x0  }
0x57: {  	[sflag:s19] =	ssyncadd.s32 @!p0 $0xFFFFC000  }
0x58: {  	_ =	swait.ge @!p0 [sflag:s19], $0x1000  }
0x59: {  	[sflag:s19] =	ssyncset.done @!p0 $0x0  }
0x5a: {  	[sflag:s19] =	ssyncadd.s32 @!p0 $0xFFFFF000  }
0x5b: {  	v36 =	vld [tilespmem:$0x0];
	_ =	sdelay $0x4  }
0x5c: {  	v37 =	vshll.u32 v36, $0x1  }
0x5d: {  	v36 =	vand.u32 $0x7, v36;
	v37 =	vand.u32 $0xFFFFFFF0, v37  }
0x5e: {  	v36 =	vor.u32 v36, v37  }
0x5f: {  	v37 =	vperm.xlane v36, v0;
	_ =	sdelay $0x1  }
0x60: {  	v36 =	vperm.xlane v36, v2;
	v37 =	vadd.s32 v1, v37;
	_ =	sdelay $0x1  }
0x61: {  	v36 =	vadd.s32 v1, v36;
	_ =	sdelay $0x2  }
0x62: {  	[tilespmem:s31], [sflag:$0x3] =	stream.indirect_vreg.gather [hbm4b:s0+s2], $0x80, v37, vm0, $0xb8;
	[tilespmem:$0x1DA80] =	vst v63  }
0x63: {  	_ = 	snop  }
0x64: {  	[tilespmem:s13], [sflag:$0x3] =	stream.indirect_vreg.gather [hbm4b:s0+s2], $0x80, v36, vm0, $0xb8;
	[tilespmem:$0x1DA80] =	vst v63  }
0x65: {  	v36 =	vld [tilespmem:$0x10];
	_ =	sdelay $0x4  }
0x66: {  	v46 =	vshll.u32 v36, $0x1  }
0x67: {  	v36 =	vand.u32 $0x7, v36;
	v37 =	vand.u32 $0xFFFFFFF0, v46  }
0x68: {  	v36 =	vor.u32 v36, v37  }
0x69: {  	v37 =	vperm.xlane v36, v0;
	_ =	sdelay $0x1  }
0x6a: {  	v36 =	vperm.xlane v36, v2;
	v37 =	vadd.s32 v1, v37;
	_ =	sdelay $0x1  }
0x6b: {  	v36 =	vadd.s32 v1, v36;
	_ =	sdelay $0x2  }
0x6c: {  	[tilespmem:s23], [sflag:$0x3] =	stream.indirect_vreg.gather [hbm4b:s0+s2], $0x80, v37, vm0, $0xb8;
	[tilespmem:$0x1DA80] =	vst v63  }
0x6d: {  	_ = 	snop  }
0x6e: {  	[tilespmem:s25], [sflag:$0x3] =	stream.indirect_vreg.gather [hbm4b:s0+s2], $0x80, v36, vm0, $0xb8;
	[tilespmem:$0x1DA80] =	vst v63  }
0x6f: {  	v36 =	vld [tilespmem:$0x80];
	_ =	sdelay $0x4  }
0x70: {  	v47 =	vshll.u32 v36, $0x1  }
0x71: {  	v36 =	vand.u32 $0x7, v36;
	v37 =	vand.u32 $0xFFFFFFF0, v47  }
0x72: {  	v36 =	vor.u32 v36, v37  }
0x73: {  	v37 =	vperm.xlane v36, v0;
	_ =	sdelay $0x1  }
0x74: {  	v36 =	vperm.xlane v36, v2;
	v37 =	vadd.s32 v1, v37;
	_ =	sdelay $0x1  }
0x75: {  	v36 =	vadd.s32 v1, v36;
	_ =	sdelay $0x1  }
0x76: {  	s3 =	simm.s32 $0xA00  }
0x77: {  	[tilespmem:s3], [sflag:$0x3] =	stream.indirect_vreg.gather [hbm4b:s4+s2], $0x80, v37, vm0, $0xb8;
	[tilespmem:$0x1DA80] =	vst v63  }
0x78: {  	s13 =	simm.s32 $0x1A00  }
0x79: {  	[tilespmem:s13], [sflag:$0x3] =	stream.indirect_vreg.gather [hbm4b:s4+s2], $0x80, v36, vm0, $0xb8;
	[tilespmem:$0x1DA80] =	vst v63  }
0x7a: {  	v36 =	vld [tilespmem:$0x90];
	_ =	sdelay $0x4  }
0x7b: {  	v48 =	vshll.u32 v36, $0x1  }
0x7c: {  	v36 =	vand.u32 $0x7, v36;
	v37 =	vand.u32 $0xFFFFFFF0, v48  }
0x7d: {  	v36 =	vor.u32 v36, v37  }
0x7e: {  	v37 =	vperm.xlane v36, v0;
	_ =	sdelay $0x1  }
0x7f: {  	v36 =	vperm.xlane v36, v2;
	v37 =	vadd.s32 v1, v37;
	_ =	sdelay $0x1  }
0x80: {  	v36 =	vadd.s32 v1, v36;
	_ =	sdelay $0x1  }
0x81: {  	s19 =	simm.s32 $0x2A00  }
0x82: {  	[tilespmem:s19], [sflag:$0x3] =	stream.indirect_vreg.gather [hbm4b:s4+s2], $0x80, v37, vm0, $0xb8;
	[tilespmem:$0x1DA80] =	vst v63  }
0x83: {  	s23 =	simm.s32 $0x3A00  }
0x84: {  	[tilespmem:s23], [sflag:$0x3] =	stream.indirect_vreg.gather [hbm4b:s4+s2], $0x80, v36, vm0, $0xb8;
	[tilespmem:$0x1DA80] =	vst v63  }
0x85: {  	_ =	swait.ge [sflag:s9], $0x20  }
0x86: {  	[sflag:s9] =	ssyncset.done $0x0  }
0x87: {  	[sflag:s9] =	ssyncadd.s32 $0xFFFFFFE0  }
0x88: {  	_ =	swait.ge [sflag:s9], $0x20  }
0x89: {  	[sflag:s9] =	ssyncset.done $0x0  }
0x8a: {  	s19 =	simm.s32 @!p0 $0x6;
	[sflag:s9] =	ssyncadd.s32 $0xFFFFFFE0  }
0x8b: {  	_ =	swait.ge @!p0 [sflag:s19], $0x4000  }
0x8c: {  	[sflag:s19] =	ssyncset.done @!p0 $0x0  }
0x8d: {  	[sflag:s19] =	ssyncadd.s32 @!p0 $0xFFFFC000  }
0x8e: {  	_ =	swait.ge @!p0 [sflag:s19], $0x1000  }
0x8f: {  	[sflag:s19] =	ssyncset.done @!p0 $0x0  }
0x90: {  	[sflag:s19] =	ssyncadd.s32 @!p0 $0xFFFFF000  }
0x91: {  	v49 =	vld [tilespmem:$0x100];
	_ =	sdelay $0x4  }
0x92: {  	v50 =	vshll.u32 v49, $0x1  }
0x93: {  	v36 =	vand.u32 $0x7, v49;
	v37 =	vand.u32 $0xFFFFFFF0, v50  }
0x94: {  	v36 =	vor.u32 v36, v37  }
0x95: {  	v37 =	vperm.xlane v36, v0;
	_ =	sdelay $0x1  }
0x96: {  	v36 =	vperm.xlane v36, v2;
	v37 =	vadd.s32 v1, v37;
	_ =	sdelay $0x1  }
0x97: {  	v36 =	vadd.s32 v1, v36;
	_ =	sdelay $0x2  }
0x98: {  	[tilespmem:s10], [sflag:$0x4] =	stream.indirect_vreg.gather [hbm4b:s0+s2], $0x80, v37, vm0, $0xb8;
	[tilespmem:$0x1DA80] =	vst v63  }
0x99: {  	s25 =	simm.s32 $0x5200  }
0x9a: {  	[tilespmem:s25], [sflag:$0x4] =	stream.indirect_vreg.gather [hbm4b:s0+s2], $0x80, v36, vm0, $0xb8;
	[tilespmem:$0x1DA80] =	vst v63  }
0x9b: {  	v36 =	vld [tilespmem:$0x110];
	_ =	sdelay $0x4  }
0x9c: {  	v51 =	vshll.u32 v36, $0x1  }
0x9d: {  	v36 =	vand.u32 $0x7, v36;
	v37 =	vand.u32 $0xFFFFFFF0, v51  }
0x9e: {  	v36 =	vor.u32 v36, v37  }
0x9f: {  	v37 =	vperm.xlane v36, v0;
	_ =	sdelay $0x1  }
0xa0: {  	v36 =	vperm.xlane v36, v2;
	v37 =	vadd.s32 v1, v37;
	_ =	sdelay $0x1  }
0xa1: {  	v36 =	vadd.s32 v1, v36;
	_ =	sdelay $0x1  }
0xa2: {  	s1 =	simm.s32 $0x6200  }
0xa3: {  	[tilespmem:s1], [sflag:$0x4] =	stream.indirect_vreg.gather [hbm4b:s0+s2], $0x80, v37, vm0, $0xb8;
	[tilespmem:$0x1DA80] =	vst v63  }
0xa4: {  	s9 =	simm.s32 $0x7200  }
0xa5: {  	[tilespmem:s9], [sflag:$0x4] =	stream.indirect_vreg.gather [hbm4b:s0+s2], $0x80, v36, vm0, $0xb8;
	[tilespmem:$0x1DA80] =	vst v63  }
0xa6: {  	v36 =	vld [tilespmem:$0x180];
	_ =	sdelay $0x4  }
0xa7: {  	v52 =	vshll.u32 v36, $0x1  }
0xa8: {  	v36 =	vand.u32 $0x7, v36;
	v37 =	vand.u32 $0xFFFFFFF0, v52  }
0xa9: {  	v36 =	vor.u32 v36, v37  }
0xaa: {  	v37 =	vperm.xlane v36, v0;
	_ =	sdelay $0x1  }
0xab: {  	v36 =	vperm.xlane v36, v2;
	v37 =	vadd.s32 v1, v37;
	_ =	sdelay $0x1  }
0xac: {  	v36 =	vadd.s32 v1, v36;
	_ =	sdelay $0x1  }
0xad: {  	s13 =	simm.s32 $0x4A00  }
0xae: {  	[tilespmem:s13], [sflag:$0x4] =	stream.indirect_vreg.gather [hbm4b:s4+s2], $0x80, v37, vm0, $0xb8;
	[tilespmem:$0x1DA80] =	vst v63  }
0xaf: {  	s19 =	simm.s32 $0x5A00  }
0xb0: {  	[tilespmem:s19], [sflag:$0x4] =	stream.indirect_vreg.gather [hbm4b:s4+s2], $0x80, v36, vm0, $0xb8;
	[tilespmem:$0x1DA80] =	vst v63  }
0xb1: {  	v36 =	vld [tilespmem:$0x190];
	_ =	sdelay $0x4  }
0xb2: {  	v53 =	vshll.u32 v36, $0x1  }
0xb3: {  	v36 =	vand.u32 $0x7, v36;
	v37 =	vand.u32 $0xFFFFFFF0, v53  }
0xb4: {  	v36 =	vor.u32 v36, v37  }
0xb5: {  	v37 =	vperm.xlane v36, v0;
	_ =	sdelay $0x1  }
0xb6: {  	v36 =	vperm.xlane v36, v2;
	v37 =	vadd.s32 v1, v37;
	_ =	sdelay $0x1  }
0xb7: {  	v36 =	vadd.s32 v1, v36;
	_ =	sdelay $0x1  }
0xb8: {  	s23 =	simm.s32 $0x6A00  }
0xb9: {  	[tilespmem:s23], [sflag:$0x4] =	stream.indirect_vreg.gather [hbm4b:s4+s2], $0x80, v37, vm0, $0xb8;
	[tilespmem:$0x1DA80] =	vst v63  }
0xba: {  	s25 =	simm.s32 $0x7A00  }
0xbb: {  	[tilespmem:s25], [sflag:$0x4] =	stream.indirect_vreg.gather [hbm4b:s4+s2], $0x80, v36, vm0, $0xb8;
	[tilespmem:$0x1DA80] =	vst v63  }
0xbc: {  	_ =	swait.ge [sflag:s20], $0x2000  }
0xbd: {  	[sflag:s20] =	ssyncset.done $0x0  }
0xbe: {  	[sflag:s20] =	ssyncadd.s32 $0xFFFFE000  }
0xbf: {  	_ =	swait.ge [sflag:s20], $0x2000  }
0xc0: {  	[sflag:s20] =	ssyncset.done $0x0  }
0xc1: {  	[sflag:s20] =	ssyncadd.s32 $0xFFFFE000  }
0xc2: {  	v54 =	vld [tilespmem:$0x0];
	_ =	sdelay $0x3  }
0xc3: {  	v55 =	vld [tilespmem:$0x80]  }
0xc4: {  	v36 =	vshll.u32 v54, $0x3  }
0xc5: {  	v38 =	vor.u32 $0x4, v36  }
0xc6: {  	v39 =	vor.u32 $0x5, v36  }
0xc7: {  	v40 =	vor.u32 $0x6, v36  }
0xc8: {  	v37 =	vshll.u32 v55, $0x3;
	v36 =	vor.u32 $0x7, v36  }
0xc9: {  	v41 =	vor.u32 $0x4, v37  }
0xca: {  	v42 =	vor.u32 $0x5, v37;
	v38 =	vld.idx.msk [tilespmem:v38+s24+$0x0], $0xffff  }
0xcb: {  	v43 =	vor.u32 $0x6, v37;
	v39 =	vld.idx.msk [tilespmem:v39+s24+$0x0], $0xffff  }
0xcc: {  	v44 =	vor.u32 $0x7, v37;
	v40 =	vld.idx.msk [tilespmem:v40+s24+$0x0], $0xffff  }
0xcd: {  	v36 =	vld.idx.msk [tilespmem:v36+s24+$0x0], $0xffff  }
0xce: {  	v41 =	vld.idx.msk [tilespmem:v41+s24+$0x0], $0xffff  }
0xcf: {  	v42 =	vld.idx.msk [tilespmem:v42+s24+$0x0], $0xffff  }
0xd0: {  	v43 =	vld.idx.msk [tilespmem:v43+s24+$0x0], $0xffff  }
0xd1: {  	v44 =	vld.idx.msk [tilespmem:v44+s24+$0x0], $0xffff  }
0xd2: {  	v45 =	vmul.f32 $5.000000000e-01, v40;
	v46 =	vmul.f32 $5.000000000e-01, v36;
	_ =	sdelay $0x1  }
0xd3: {  	v45 =	vadd.f32 v45, v38;
	v46 =	vadd.f32 v46, v39  }
0xd4: {  	v47 =	vmul.f32 $5.000000000e-01, v43  }
0xd5: {  	v48 =	vmul.f32 $5.000000000e-01, v44;
	v45 =	vsub.f32 v45, v41;
	v46 =	vsub.f32 v46, v42;
	_ =	sdelay $0x1  }
0xd6: {  	v45 =	vsub.f32 v45, v47;
	v46 =	vsub.f32 v46, v48;
	_ =	sdelay $0x1  }
0xd7: {  	v47 =	vand.u32 $0x7FFFFFFF, v45;
	v48 =	vand.u32 $0x7FFFFFFF, v46  }
0xd8: {  	v49 =	vmax.f32 v47, v48  }
0xd9: {  	v49 =	vmax.f32 v49, $1.000000000e-30  }
0xda: {  	(erf) = vrcp.f32 v49;
	_ =	sdelay $0x5  }
0xdb: {  	[tilespmem:v3+s31+$0x0] =	vst.idx.msk $0xffff, v38  }
0xdc: {  	[tilespmem:v4+s31+$0x0] =	vst.idx.msk $0xffff, v39;
	v45 =	vmul.f32 v45, v45;
	v56 =	vmul.f32 v46, v46  }
0xdd: {  	[tilespmem:v6+s31+$0x0] =	vst.idx.msk $0xffff, v40  }
0xde: {  	[tilespmem:v7+s31+$0x0] =	vst.idx.msk $0xffff, v36;
	v57 =	vmin.f32 v47, v48;
	v45 =	vadd.f32 v56, v45;
	v50 =	vpop (erf)  }
0xdf: {  	v36 =	vld.idx.msk [tilespmem:v37+s24+$0x0], $0xffff;
	v49 =	vmul.f32 v50, v57  }
0xe0: {  	v54 =	vor.u32 $0x1, v37;
	v51 =	vshrl.u32 v45, $0x1;
	v52 =	vmul.f32 $5.000000000e-01, v45  }
0xe1: {  	v58 =	vsub.s32 $0x5F3759DF, v51;
	v60 =	vmul.f32 v49, v49  }
0xe2: {  	v59 =	vmul.f32 v58, v52  }
0xe3: {  	v53 =	vmul.f32 $1.172120030e-02, v60  }
0xe4: {  	[tilespmem:v5+s6+$0x0] =	vst.idx.msk $0xffff, v36;
	v40 =	vmul.f32 v58, v59  }
0xe5: {  	v36 =	vld.idx.msk [tilespmem:v54+s24+$0x0], $0xffff;
	v53 =	vsub.f32 $5.265332010e-02, v53  }
0xe6: {  	v63 =	vor.u32 $0x2, v37;
	v40 =	vsub.f32 $1.500000000e+00, v40  }
0xe7: {  	v61 =	vmul.f32 v53, v60  }
0xe8: {  	v40 =	vmul.f32 v58, v40  }
0xe9: {  	v50 =	vadd.f32 $-1.164328680e-01, v61  }
0xea: {  	[tilespmem:v8+s6+$0x0] =	vst.idx.msk $0xffff, v36;
	v62 =	vmul.f32 v40, v52  }
0xeb: {  	v36 =	vld.idx.msk [tilespmem:v63+s24+$0x0], $0xffff;
	v50 =	vmul.f32 v50, v60  }
0xec: {  	v37 =	vor.u32 $0x3, v37;
	v53 =	vmul.f32 v62, v40  }
0xed: {  	v50 =	vadd.f32 $1.935434640e-01, v50  }
0xee: {  	v53 =	vsub.f32 $1.500000000e+00, v53  }
0xef: {  	v50 =	vmul.f32 v50, v60  }
0xf0: {  	[tilespmem:v9+s6+$0x0] =	vst.idx.msk $0xffff, v36;
	v40 =	vmul.f32 v53, v40  }
0xf1: {  	v36 =	vld.idx.msk [tilespmem:v37+s24+$0x0], $0xffff;
	v50 =	vadd.f32 $-3.326234820e-01, v50  }
0xf2: {  	v52 =	vmul.f32 v40, v52  }
0xf3: {  	v50 =	vmul.f32 v50, v60  }
0xf4: {  	v52 =	vmul.f32 v52, v40  }
0xf5: {  	v50 =	vadd.f32 $9.999772310e-01, v50  }
0xf6: {  	v39 =	vsub.f32 v42, v39;
	vm1 =	vlt.f32 v46, $0.0e+00;
	[tilespmem:v10+s6+$0x0] =	vst.idx.msk $0xffff, v36;
	v56 =	vsub.f32 $1.500000000e+00, v52  }
0xf7: {  	vm2 =	vgt.f32 v46, $0.0e+00;
	vm3 =	vgt.f32 v48, v47;
	[tilespmem:v11+s6+$0x0] =	vst.idx.msk $0xffff, v41;
	v57 =	vmul.f32 v50, v49  }
0xf8: {  	vm1 =	vmor vm2, vm1;
	v59 =	vand.u32 $0x80000000, v46;
	[tilespmem:v12+s6+$0x0] =	vst.idx.msk $0xffff, v42;
	v37 =	vmul.f32 v56, v40  }
0xf9: {  	[tilespmem:v13+s6+$0x0] =	vst.idx.msk $0xffff, v43;
	v61 =	vor.u32 v59, v16;
	v60 =	vsub.f32 v41, v38;
	v58 =	vsub.f32 $1.570796370e+00, v57  }
0xfa: {  	[tilespmem:v14+s6+$0x0] =	vst.idx.msk $0xffff, v44;
	v44 =	vand.u32 $0x80000000, v39;
	v38 =	vsel vm1, v61, v46;
	v37 =	vmul.f32 v37, v45  }
0xfb: {  	v62 =	vand.u32 $0x80000000, v60;
	vm1 =	vlt.f32 v60, $0.0e+00;
	v40 =	vsel vm3, v58, v57  }
0xfc: {  	vm2 =	vgt.f32 v60, $0.0e+00;
	v63 =	vor.u32 v62, v16;
	v38 =	vmul.f32 v40, v38  }
0xfd: {  	vm1 =	vmor vm2, vm1;
	vm2 =	vlt.f32 v39, $0.0e+00;
	[tilespmem:v15+s6+$0x0] =	vst.idx.msk $0xffff, v37;
	vm3 =	vgt.f32 v39, $0.0e+00  }
0xfe: {  	v36 =	vsel vm1, v63, v60;
	v37 =	vor.u32 v44, v16;
	vm1 =	vmor vm3, vm2;
	[tilespmem:v17+s6+$0x0] =	vst.idx.msk $0xffff, v38  }
0xff: {  	v45 =	vsel vm1, v37, v39;
	[tilespmem:v18+s6+$0x0] =	vst.idx.msk $0xffff, v36  }
0x100: {  	[tilespmem:v19+s6+$0x0] =	vst.idx.msk $0xffff, v45  }
0x101: {  	v36 =	vld [tilespmem:$0x10];
	_ =	sdelay $0x3  }
0x102: {  	v46 =	vld [tilespmem:$0x90]  }
0x103: {  	v36 =	vshll.u32 v36, $0x3  }
0x104: {  	v47 =	vor.u32 $0x4, v36  }
0x105: {  	v48 =	vor.u32 $0x5, v36  }
0x106: {  	v49 =	vor.u32 $0x6, v36  }
0x107: {  	v37 =	vshll.u32 v46, $0x3;
	v36 =	vor.u32 $0x7, v36  }
0x108: {  	v50 =	vor.u32 $0x4, v37  }
0x109: {  	v51 =	vor.u32 $0x5, v37;
	v38 =	vld.idx.msk [tilespmem:v47+s24+$0x0], $0xffff  }
0x10a: {  	v52 =	vor.u32 $0x6, v37;
	v39 =	vld.idx.msk [tilespmem:v48+s24+$0x0], $0xffff  }
0x10b: {  	v53 =	vor.u32 $0x7, v37;
	v40 =	vld.idx.msk [tilespmem:v49+s24+$0x0], $0xffff  }
0x10c: {  	v36 =	vld.idx.msk [tilespmem:v36+s24+$0x0], $0xffff  }
0x10d: {  	v41 =	vld.idx.msk [tilespmem:v50+s24+$0x0], $0xffff  }
0x10e: {  	v42 =	vld.idx.msk [tilespmem:v51+s24+$0x0], $0xffff  }
0x10f: {  	v43 =	vld.idx.msk [tilespmem:v52+s24+$0x0], $0xffff  }
0x110: {  	v44 =	vld.idx.msk [tilespmem:v53+s24+$0x0], $0xffff  }
0x111: {  	v54 =	vmul.f32 $5.000000000e-01, v40;
	v55 =	vmul.f32 $5.000000000e-01, v36;
	_ =	sdelay $0x1  }
0x112: {  	v45 =	vadd.f32 v54, v38;
	v46 =	vadd.f32 v55, v39  }
0x113: {  	v56 =	vmul.f32 $5.000000000e-01, v43  }
0x114: {  	v57 =	vmul.f32 $5.000000000e-01, v44;
	v45 =	vsub.f32 v45, v41;
	v46 =	vsub.f32 v46, v42;
	_ =	sdelay $0x1  }
0x115: {  	v45 =	vsub.f32 v45, v56;
	v46 =	vsub.f32 v46, v57;
	_ =	sdelay $0x1  }
0x116: {  	v47 =	vand.u32 $0x7FFFFFFF, v45;
	v48 =	vand.u32 $0x7FFFFFFF, v46  }
0x117: {  	v58 =	vmax.f32 v47, v48  }
0x118: {  	v49 =	vmax.f32 v58, $1.000000000e-30  }
0x119: {  	(erf) = vrcp.f32 v49;
	_ =	sdelay $0x6  }
0x11a: {  	v45 =	vmul.f32 v45, v45;
	v59 =	vmul.f32 v46, v46  }
0x11b: {  	[tilespmem:v20+s31+$0x0] =	vst.idx.msk $0xffff, v38  }
0x11c: {  	[tilespmem:v21+s31+$0x0] =	vst.idx.msk $0xffff, v39;
	v60 =	vmin.f32 v47, v48;
	v45 =	vadd.f32 v59, v45;
	v61 =	vpop (erf)  }
0x11d: {  	[tilespmem:v22+s31+$0x0] =	vst.idx.msk $0xffff, v40;
	v49 =	vmul.f32 v61, v60  }
0x11e: {  	[tilespmem:v23+s31+$0x0] =	vst.idx.msk $0xffff, v36;
	v62 =	vshrl.u32 v45, $0x1;
	v52 =	vmul.f32 $5.000000000e-01, v45  }
0x11f: {  	v36 =	vld.idx.msk [tilespmem:v37+s24+$0x0], $0xffff;
	v63 =	vsub.s32 $0x5F3759DF, v62;
	v58 =	vmul.f32 v49, v49  }
0x120: {  	v57 =	vmul.f32 v63, v52;
	v60 =	vor.u32 $0x1, v37  }
0x121: {  	v59 =	vmul.f32 $1.172120030e-02, v58  }
0x122: {  	v40 =	vmul.f32 v63, v57  }
0x123: {  	v53 =	vsub.f32 $5.265332010e-02, v59  }
0x124: {  	[tilespmem:v24+s6+$0x0] =	vst.idx.msk $0xffff, v36;
	v40 =	vsub.f32 $1.500000000e+00, v40  }
0x125: {  	v36 =	vld.idx.msk [tilespmem:v60+s24+$0x0], $0xffff;
	v61 =	vmul.f32 v53, v58  }
0x126: {  	v40 =	vmul.f32 v63, v40;
	v63 =	vor.u32 $0x2, v37  }
0x127: {  	v50 =	vadd.f32 $-1.164328680e-01, v61;
	_ =	sdelay $0x1  }
0x128: {  	v62 =	vmul.f32 v40, v52;
	v50 =	vmul.f32 v50, v58  }
0x129: {  	[tilespmem:v25+s6+$0x0] =	vst.idx.msk $0xffff, v36  }
0x12a: {  	v53 =	vmul.f32 v62, v40;
	v36 =	vld.idx.msk [tilespmem:v63+s24+$0x0], $0xffff;
	v50 =	vadd.f32 $1.935434640e-01, v50  }
0x12b: {  	v37 =	vor.u32 $0x3, v37  }
0x12c: {  	v53 =	vsub.f32 $1.500000000e+00, v53;
	v50 =	vmul.f32 v50, v58;
	_ =	sdelay $0x1  }
0x12d: {  	v40 =	vmul.f32 v53, v40;
	v50 =	vadd.f32 $-3.326234820e-01, v50  }
0x12e: {  	[tilespmem:v26+s6+$0x0] =	vst.idx.msk $0xffff, v36  }
0x12f: {  	v52 =	vmul.f32 v40, v52;
	v36 =	vld.idx.msk [tilespmem:v37+s24+$0x0], $0xffff;
	v50 =	vmul.f32 v50, v58;
	_ =	sdelay $0x1  }
0x130: {  	v52 =	vmul.f32 v52, v40;
	v50 =	vadd.f32 $9.999772310e-01, v50  }
0x131: {  	v39 =	vsub.f32 v42, v39;
	vm1 =	vlt.f32 v46, $0.0e+00;
	vm2 =	vgt.f32 v46, $0.0e+00  }
0x132: {  	vm3 =	vgt.f32 v48, v47;
	v56 =	vsub.f32 $1.500000000e+00, v52;
	v57 =	vmul.f32 v50, v49  }
0x133: {  	vm1 =	vmor vm2, vm1;
	v60 =	vsub.f32 v41, v38;
	v59 =	vand.u32 $0x80000000, v46;
	[tilespmem:v27+s6+$0x0] =	vst.idx.msk $0xffff, v36  }
0x134: {  	s1 =	smulhi.u32 $0xD1B71759, s29;
	v61 =	vor.u32 v59, v16;
	v37 =	vmul.f32 v56, v40;
	[tilespmem:v28+s6+$0x0] =	vst.idx.msk $0xffff, v41;
	v58 =	vsub.f32 $1.570796370e+00, v57  }
0x135: {  	vm2 =	vgt.f32 v60, $0.0e+00;
	v62 =	vand.u32 $0x80000000, v60;
	v38 =	vsel vm1, v61, v46;
	[tilespmem:v29+s6+$0x0] =	vst.idx.msk $0xffff, v42  }
0x136: {  	s9 =	smulhi.u32 $0xD1B71759, s14;
	s19 =	sshrl.u32 s1, $0xC;
	vm1 =	vlt.f32 v60, $0.0e+00;
	v37 =	vmul.f32 v37, v45;
	[tilespmem:v30+s6+$0x0] =	vst.idx.msk $0xffff, v43;
	v40 =	vsel vm3, v58, v57  }
0x137: {  	s19 =	smul.u32 $0x61A8000, s19;
	v63 =	vor.u32 v62, v16;
	vm1 =	vmor vm2, vm1;
	[tilespmem:v31+s6+$0x0] =	vst.idx.msk $0xffff, v44;
	v38 =	vmul.f32 v40, v38  }
0x138: {  	vm2 =	vlt.f32 v39, $0.0e+00;
	v43 =	vand.u32 $0x80000000, v39;
	[tilespmem:v32+s6+$0x0] =	vst.idx.msk $0xffff, v37;
	vm3 =	vgt.f32 v39, $0.0e+00  }
0x139: {  	p0 =	seq.s32 s22, $0x4E00;
	s13 =	sshrl.u32 s9, $0xC;
	s19 =	ssub.s32 s5, s19;
	v36 =	vsel vm1, v63, v60;
	v37 =	vor.u32 v43, v16;
	vm1 =	vmor vm3, vm2;
	[tilespmem:v33+s6+$0x0] =	vst.idx.msk $0xffff, v38  }
0x13a: {  	s9 =	simm.s32 $0x400;
	s3 =	sshrl.u32 s19, $0x3;
	s19 =	sadd.s32 $0x1000, s19;
	v44 =	vsel vm1, v37, v39;
	[tilespmem:v34+s6+$0x0] =	vst.idx.msk $0xffff, v36  }
0x13b: {  	s1 =	simm.s32 $0x1000;
	s19 =	sshrl.u32 s19, $0x3;
	s23 =	sadd.s32 s7, s3;
	[tilespmem:v35+s6+$0x0] =	vst.idx.msk $0xffff, v44  }
0x13c: {  	[hbm4b:s23+s1] =	stream.strided.scatter [tilespmem:s31], [sflag:$0x5], $0x4000, s30, s1, $0x38;
	[tilespmem:$0x1DA80] =	vst v63  }
0x13d: {  	s13 =	smul.u32 $0x4E20, s13;
	s19 =	sadd.s32 s7, s19;
	s25 =	smov.u32 s21  }
0x13e: {  	[hbm4b:s19+s9] =	stream.strided.scatter [tilespmem:s6], [sflag:$0x5], $0x1000, s30, s9, $0x38;
	[tilespmem:$0x1DA80] =	vst v63  }
0x13f: {  	s23 =	sadd.s32 @!p0 s22, s15;
	s19 =	ssub.s32 s21, s13;
	s13 =	ssub.s32 s17, s13  }
0x140: {  	s21 =	smov.u32 s15;
	s15 =	sadd.s32 @!p0 s19, s23;
	s19 =	simm.s32 @!p0 $0x0  }
0x141: {  	[tilespmem:s19], [sflag:$0x1] =	stream.linear.gather @!p0 [hbm4b:s15+s19], $0x20, $0x38;
	[tilespmem:$0x1DA80] =	vst v63  }
0x142: {  	s13 =	sadd.s32 @!p0 s13, s23;
	s15 =	simm.s32 @!p0 $0x80  }
0x143: {  	[tilespmem:s15], [sflag:$0x1] =	stream.linear.gather @!p0 [hbm4b:s13+s19], $0x20, $0x38;
	[tilespmem:$0x1DA80] =	vst v63  }
0x144: {  	_ =	swait.ge [sflag:s26], $0x2000  }
0x145: {  	[sflag:s26] =	ssyncset.done $0x0  }
0x146: {  	[sflag:s26] =	ssyncadd.s32 $0xFFFFE000  }
0x147: {  	_ =	swait.ge [sflag:s26], $0x2000  }
0x148: {  	[sflag:s26] =	ssyncset.done $0x0  }
0x149: {  	[sflag:s26] =	ssyncadd.s32 $0xFFFFE000  }
0x14a: {  	v45 =	vld [tilespmem:$0x100];
	_ =	sdelay $0x3  }
0x14b: {  	v46 =	vld [tilespmem:$0x180]  }
0x14c: {  	v36 =	vshll.u32 v45, $0x3  }
0x14d: {  	v47 =	vor.u32 $0x4, v36  }
0x14e: {  	v48 =	vor.u32 $0x5, v36  }
0x14f: {  	v49 =	vor.u32 $0x6, v36  }
0x150: {  	v37 =	vshll.u32 v46, $0x3;
	v36 =	vor.u32 $0x7, v36  }
0x151: {  	v50 =	vor.u32 $0x4, v37  }
0x152: {  	v51 =	vor.u32 $0x5, v37;
	v38 =	vld.idx.msk [tilespmem:v47+s24+$0x0], $0xffff  }
0x153: {  	v52 =	vor.u32 $0x6, v37;
	v39 =	vld.idx.msk [tilespmem:v48+s24+$0x0], $0xffff  }
0x154: {  	v53 =	vor.u32 $0x7, v37;
	v40 =	vld.idx.msk [tilespmem:v49+s24+$0x0], $0xffff  }
0x155: {  	v36 =	vld.idx.msk [tilespmem:v36+s24+$0x0], $0xffff  }
0x156: {  	v41 =	vld.idx.msk [tilespmem:v50+s24+$0x0], $0xffff  }
0x157: {  	v42 =	vld.idx.msk [tilespmem:v51+s24+$0x0], $0xffff  }
0x158: {  	v43 =	vld.idx.msk [tilespmem:v52+s24+$0x0], $0xffff  }
0x159: {  	v44 =	vld.idx.msk [tilespmem:v53+s24+$0x0], $0xffff  }
0x15a: {  	v54 =	vmul.f32 $5.000000000e-01, v40;
	v55 =	vmul.f32 $5.000000000e-01, v36;
	_ =	sdelay $0x1  }
0x15b: {  	v45 =	vadd.f32 v54, v38;
	v46 =	vadd.f32 v55, v39  }
0x15c: {  	v56 =	vmul.f32 $5.000000000e-01, v43  }
0x15d: {  	v57 =	vmul.f32 $5.000000000e-01, v44;
	v45 =	vsub.f32 v45, v41;
	v46 =	vsub.f32 v46, v42;
	_ =	sdelay $0x1  }
0x15e: {  	v45 =	vsub.f32 v45, v56;
	v46 =	vsub.f32 v46, v57;
	_ =	sdelay $0x1  }
0x15f: {  	v47 =	vand.u32 $0x7FFFFFFF, v45;
	v48 =	vand.u32 $0x7FFFFFFF, v46  }
0x160: {  	v58 =	vmax.f32 v47, v48  }
0x161: {  	v49 =	vmax.f32 v58, $1.000000000e-30  }
0x162: {  	(erf) = vrcp.f32 v49;
	_ =	sdelay $0x6  }
0x163: {  	v45 =	vmul.f32 v45, v45;
	v59 =	vmul.f32 v46, v46  }
0x164: {  	[tilespmem:v3+s10+$0x0] =	vst.idx.msk $0xffff, v38  }
0x165: {  	[tilespmem:v4+s10+$0x0] =	vst.idx.msk $0xffff, v39;
	v60 =	vmin.f32 v47, v48;
	v45 =	vadd.f32 v59, v45;
	v61 =	vpop (erf)  }
0x166: {  	[tilespmem:v6+s10+$0x0] =	vst.idx.msk $0xffff, v40;
	v49 =	vmul.f32 v61, v60  }
0x167: {  	[tilespmem:v7+s10+$0x0] =	vst.idx.msk $0xffff, v36;
	v62 =	vshrl.u32 v45, $0x1;
	v52 =	vmul.f32 $5.000000000e-01, v45  }
0x168: {  	v36 =	vld.idx.msk [tilespmem:v37+s24+$0x0], $0xffff;
	v63 =	vsub.s32 $0x5F3759DF, v62;
	v58 =	vmul.f32 v49, v49  }
0x169: {  	v57 =	vmul.f32 v63, v52;
	v60 =	vor.u32 $0x1, v37  }
0x16a: {  	v59 =	vmul.f32 $1.172120030e-02, v58  }
0x16b: {  	v40 =	vmul.f32 v63, v57  }
0x16c: {  	v53 =	vsub.f32 $5.265332010e-02, v59  }
0x16d: {  	[tilespmem:v5+s28+$0x0] =	vst.idx.msk $0xffff, v36;
	v40 =	vsub.f32 $1.500000000e+00, v40  }
0x16e: {  	v36 =	vld.idx.msk [tilespmem:v60+s24+$0x0], $0xffff;
	v61 =	vmul.f32 v53, v58  }
0x16f: {  	v40 =	vmul.f32 v63, v40;
	v63 =	vor.u32 $0x2, v37  }
0x170: {  	v50 =	vadd.f32 $-1.164328680e-01, v61;
	_ =	sdelay $0x1  }
0x171: {  	v62 =	vmul.f32 v40, v52;
	v50 =	vmul.f32 v50, v58  }
0x172: {  	[tilespmem:v8+s28+$0x0] =	vst.idx.msk $0xffff, v36  }
0x173: {  	v53 =	vmul.f32 v62, v40;
	v36 =	vld.idx.msk [tilespmem:v63+s24+$0x0], $0xffff;
	v50 =	vadd.f32 $1.935434640e-01, v50  }
0x174: {  	v37 =	vor.u32 $0x3, v37  }
0x175: {  	v53 =	vsub.f32 $1.500000000e+00, v53;
	v50 =	vmul.f32 v50, v58;
	_ =	sdelay $0x1  }
0x176: {  	v40 =	vmul.f32 v53, v40;
	v50 =	vadd.f32 $-3.326234820e-01, v50  }
0x177: {  	[tilespmem:v9+s28+$0x0] =	vst.idx.msk $0xffff, v36  }
0x178: {  	v52 =	vmul.f32 v40, v52;
	v36 =	vld.idx.msk [tilespmem:v37+s24+$0x0], $0xffff;
	v50 =	vmul.f32 v50, v58;
	_ =	sdelay $0x1  }
0x179: {  	v52 =	vmul.f32 v52, v40;
	v50 =	vadd.f32 $9.999772310e-01, v50  }
0x17a: {  	v39 =	vsub.f32 v42, v39;
	vm1 =	vlt.f32 v46, $0.0e+00;
	vm2 =	vgt.f32 v46, $0.0e+00  }
0x17b: {  	vm3 =	vgt.f32 v48, v47;
	v56 =	vsub.f32 $1.500000000e+00, v52;
	v57 =	vmul.f32 v50, v49  }
0x17c: {  	vm1 =	vmor vm2, vm1;
	v60 =	vsub.f32 v41, v38;
	v59 =	vand.u32 $0x80000000, v46;
	[tilespmem:v10+s28+$0x0] =	vst.idx.msk $0xffff, v36  }
0x17d: {  	v61 =	vor.u32 v59, v16;
	v37 =	vmul.f32 v56, v40;
	[tilespmem:v11+s28+$0x0] =	vst.idx.msk $0xffff, v41;
	v58 =	vsub.f32 $1.570796370e+00, v57  }
0x17e: {  	vm2 =	vgt.f32 v60, $0.0e+00;
	v62 =	vand.u32 $0x80000000, v60;
	v38 =	vsel vm1, v61, v46;
	[tilespmem:v12+s28+$0x0] =	vst.idx.msk $0xffff, v42  }
0x17f: {  	vm1 =	vlt.f32 v60, $0.0e+00;
	v37 =	vmul.f32 v37, v45;
	[tilespmem:v13+s28+$0x0] =	vst.idx.msk $0xffff, v43;
	v40 =	vsel vm3, v58, v57  }
0x180: {  	v63 =	vor.u32 v62, v16;
	vm1 =	vmor vm2, vm1;
	[tilespmem:v14+s28+$0x0] =	vst.idx.msk $0xffff, v44;
	v38 =	vmul.f32 v40, v38  }
0x181: {  	vm2 =	vlt.f32 v39, $0.0e+00;
	v42 =	vand.u32 $0x80000000, v39;
	[tilespmem:v15+s28+$0x0] =	vst.idx.msk $0xffff, v37;
	vm3 =	vgt.f32 v39, $0.0e+00  }
0x182: {  	v36 =	vsel vm1, v63, v60;
	v37 =	vor.u32 v42, v16;
	vm1 =	vmor vm3, vm2;
	[tilespmem:v17+s28+$0x0] =	vst.idx.msk $0xffff, v38  }
0x183: {  	v43 =	vsel vm1, v37, v39;
	[tilespmem:v18+s28+$0x0] =	vst.idx.msk $0xffff, v36  }
0x184: {  	[tilespmem:v19+s28+$0x0] =	vst.idx.msk $0xffff, v43  }
0x185: {  	v36 =	vld [tilespmem:$0x110];
	_ =	sdelay $0x3  }
0x186: {  	v44 =	vld [tilespmem:$0x190]  }
0x187: {  	v36 =	vshll.u32 v36, $0x3  }
0x188: {  	v45 =	vor.u32 $0x4, v36  }
0x189: {  	v46 =	vor.u32 $0x5, v36  }
0x18a: {  	v47 =	vor.u32 $0x6, v36  }
0x18b: {  	v37 =	vshll.u32 v44, $0x3;
	v36 =	vor.u32 $0x7, v36  }
0x18c: {  	v48 =	vor.u32 $0x4, v37  }
0x18d: {  	v49 =	vor.u32 $0x5, v37;
	v38 =	vld.idx.msk [tilespmem:v45+s24+$0x0], $0xffff  }
0x18e: {  	v50 =	vor.u32 $0x6, v37;
	v39 =	vld.idx.msk [tilespmem:v46+s24+$0x0], $0xffff  }
0x18f: {  	v51 =	vor.u32 $0x7, v37;
	v40 =	vld.idx.msk [tilespmem:v47+s24+$0x0], $0xffff  }
0x190: {  	v36 =	vld.idx.msk [tilespmem:v36+s24+$0x0], $0xffff  }
0x191: {  	v41 =	vld.idx.msk [tilespmem:v48+s24+$0x0], $0xffff  }
0x192: {  	v42 =	vld.idx.msk [tilespmem:v49+s24+$0x0], $0xffff  }
0x193: {  	v43 =	vld.idx.msk [tilespmem:v50+s24+$0x0], $0xffff  }
0x194: {  	v44 =	vld.idx.msk [tilespmem:v51+s24+$0x0], $0xffff  }
0x195: {  	v52 =	vmul.f32 $5.000000000e-01, v40;
	v53 =	vmul.f32 $5.000000000e-01, v36;
	_ =	sdelay $0x1  }
0x196: {  	v45 =	vadd.f32 v52, v38;
	v46 =	vadd.f32 v53, v39  }
0x197: {  	v54 =	vmul.f32 $5.000000000e-01, v43  }
0x198: {  	v55 =	vmul.f32 $5.000000000e-01, v44;
	v45 =	vsub.f32 v45, v41;
	v46 =	vsub.f32 v46, v42;
	_ =	sdelay $0x1  }
0x199: {  	v45 =	vsub.f32 v45, v54;
	v46 =	vsub.f32 v46, v55;
	_ =	sdelay $0x1  }
0x19a: {  	v47 =	vand.u32 $0x7FFFFFFF, v45;
	v48 =	vand.u32 $0x7FFFFFFF, v46  }
0x19b: {  	v56 =	vmax.f32 v47, v48  }
0x19c: {  	v49 =	vmax.f32 v56, $1.000000000e-30  }
0x19d: {  	(erf) = vrcp.f32 v49;
	_ =	sdelay $0x7  }
0x19e: {  	v45 =	vmul.f32 v45, v45;
	v57 =	vmul.f32 v46, v46  }
0x19f: {  	[tilespmem:v20+s10+$0x0] =	vst.idx.msk $0xffff, v38;
	v58 =	vmin.f32 v47, v48;
	v59 =	vpop (erf)  }
0x1a0: {  	[tilespmem:v21+s10+$0x0] =	vst.idx.msk $0xffff, v39;
	v45 =	vadd.f32 v57, v45;
	v49 =	vmul.f32 v59, v58  }
0x1a1: {  	[tilespmem:v22+s10+$0x0] =	vst.idx.msk $0xffff, v40  }
0x1a2: {  	[tilespmem:v23+s10+$0x0] =	vst.idx.msk $0xffff, v36;
	v60 =	vshrl.u32 v45, $0x1;
	v51 =	vmul.f32 $5.000000000e-01, v45;
	v50 =	vmul.f32 v49, v49  }
0x1a3: {  	v63 =	vld.idx.msk [tilespmem:v37+s24+$0x0], $0xffff;
	v61 =	vsub.s32 $0x5F3759DF, v60  }
0x1a4: {  	v62 =	vmul.f32 v61, v51;
	v58 =	vor.u32 $0x1, v37;
	v57 =	vmul.f32 $1.172120030e-02, v50;
	_ =	sdelay $0x1  }
0x1a5: {  	v36 =	vmul.f32 v61, v62;
	v53 =	vsub.f32 $5.265332010e-02, v57;
	_ =	sdelay $0x1  }
0x1a6: {  	[tilespmem:v24+s28+$0x0] =	vst.idx.msk $0xffff, v63;
	v36 =	vsub.f32 $1.500000000e+00, v36;
	v53 =	vmul.f32 v53, v50  }
0x1a7: {  	v59 =	vld.idx.msk [tilespmem:v58+s24+$0x0], $0xffff  }
0x1a8: {  	v36 =	vmul.f32 v61, v36;
	v61 =	vor.u32 $0x2, v37;
	v60 =	vadd.f32 $-1.164328680e-01, v53;
	_ =	sdelay $0x1  }
0x1a9: {  	v52 =	vmul.f32 v60, v50  }
0x1aa: {  	v62 =	vmul.f32 v36, v51  }
0x1ab: {  	[tilespmem:v25+s28+$0x0] =	vst.idx.msk $0xffff, v59;
	v52 =	vadd.f32 $1.935434640e-01, v52  }
0x1ac: {  	v54 =	vmul.f32 v62, v36;
	v53 =	vld.idx.msk [tilespmem:v61+s24+$0x0], $0xffff  }
0x1ad: {  	v37 =	vor.u32 $0x3, v37;
	v52 =	vmul.f32 v52, v50  }
0x1ae: {  	v63 =	vsub.f32 $1.500000000e+00, v54  }
0x1af: {  	v54 =	vadd.f32 $-3.326234820e-01, v52  }
0x1b0: {  	v36 =	vmul.f32 v63, v36  }
0x1b1: {  	[tilespmem:v26+s28+$0x0] =	vst.idx.msk $0xffff, v53;
	v40 =	vmul.f32 v54, v50  }
0x1b2: {  	v51 =	vmul.f32 v36, v51;
	v37 =	vld.idx.msk [tilespmem:v37+s24+$0x0], $0xffff  }
0x1b3: {  	v40 =	vadd.f32 $9.999772310e-01, v40  }
0x1b4: {  	v55 =	vmul.f32 v51, v36  }
0x1b5: {  	v39 =	vsub.f32 v42, v39;
	vm2 =	vlt.f32 v46, $0.0e+00;
	v40 =	vmul.f32 v40, v49  }
0x1b6: {  	vm3 =	vgt.f32 v46, $0.0e+00;
	v58 =	vsub.f32 v41, v38;
	v50 =	vsub.f32 $1.500000000e+00, v55  }
0x1b7: {  	vm1 =	vgt.f32 v48, v47;
	v57 =	vand.u32 $0x80000000, v46;
	[tilespmem:v27+s28+$0x0] =	vst.idx.msk $0xffff, v37;
	v56 =	vsub.f32 $1.570796370e+00, v40  }
0x1b8: {  	s15 =	smulhi.u32 $0xD1B71759, s11;
	v61 =	vand.u32 $0x80000000, v58;
	v60 =	vor.u32 v57, v16;
	v36 =	vmul.f32 v50, v36;
	[tilespmem:v28+s28+$0x0] =	vst.idx.msk $0xffff, v41  }
0x1b9: {  	v62 =	vor.u32 v61, v16;
	[tilespmem:v29+s28+$0x0] =	vst.idx.msk $0xffff, v42;
	v59 =	vsel vm1, v56, v40;
	vm1 =	vmor vm3, vm2  }
0x1ba: {  	s29 =	sadd.s32 @!p0 $0x40, s29;
	s13 =	sshrl.u32 s15, $0xC;
	v63 =	vand.u32 $0x80000000, v39;
	v36 =	vmul.f32 v36, v45;
	[tilespmem:v30+s28+$0x0] =	vst.idx.msk $0xffff, v43;
	v40 =	vsel vm1, v60, v46  }
0x1bb: {  	s14 =	sadd.s32 @!p0 $0x40, s14;
	s5 =	sadd.s32 @!p0 $0x140000, s5;
	s13 =	smul.u32 $0x61A8000, s13;
	[tilespmem:v31+s28+$0x0] =	vst.idx.msk $0xffff, v44;
	vm2 =	vgt.f32 v58, $0.0e+00;
	vm1 =	vlt.f32 v58, $0.0e+00;
	v38 =	vmul.f32 v59, v40  }
0x1bc: {  	s3 =	smov.u32 s17;
	s22 =	sadd.s32 @!p0 $0x100, s22;
	s15 =	smulhi.u32 $0xD1B71759, s18;
	[tilespmem:v32+s28+$0x0] =	vst.idx.msk $0xffff, v36;
	vm3 =	vgt.f32 v39, $0.0e+00;
	vm1 =	vmor vm2, vm1;
	vm2 =	vlt.f32 v39, $0.0e+00  }
0x1bd: {  	p1 =	sne.s32 @!p0 s22, $0x4F00;
	s17 =	smov.u32 s16;
	s16 =	ssub.s32 s8, s13;
	v36 =	vor.u32 v63, v16;
	v37 =	vsel vm1, v62, v58;
	vm1 =	vmor vm3, vm2;
	[tilespmem:v33+s28+$0x0] =	vst.idx.msk $0xffff, v38  }
0x1be: {  	p1 =	por p0, !p1;
	s15 =	sshrl.u32 s15, $0xC;
	s16 =	sshrl.u32 s16, $0x3;
	v36 =	vsel vm1, v36, v39;
	[tilespmem:v34+s28+$0x0] =	vst.idx.msk $0xffff, v37  }
0x1bf: {  	s15 =	smul.u32 $0x4E20, s15;
	s13 =	ssub.s32 s12, s13;
	s16 =	sadd.s32 s7, s16;
	[tilespmem:v35+s28+$0x0] =	vst.idx.msk $0xffff, v36  }
0x1c0: {  	[hbm4b:s16+s1] =	stream.strided.scatter [tilespmem:s10], [sflag:$0x6], $0x4000, s30, s1, $0x38;
	[tilespmem:$0x1DA80] =	vst v63  }
0x1c1: {  	s11 =	sadd.s32 @!p0 $0x40, s11;
	s13 =	sshrl.u32 s13, $0x3;
	s16 =	rddreg [dreg:$0xd]  }
0x1c2: {  	s13 =	sadd.s32 s7, s13;
	s1 =	simm.s32 $0x1400;
	s16 =	ssub.s32 s16, s15  }
0x1c3: {  	[hbm4b:s13+s9] =	stream.strided.scatter [tilespmem:s28], [sflag:$0x6], $0x1000, s1, s9, $0x38;
	[tilespmem:$0x1DA80] =	vst v63  }
0x1c4: {  	s18 =	sadd.s32 @!p0 $0x40, s18;
	s13 =	sadd.s32 @!p0 s16, s23;
	s16 =	simm.s32 @!p0 $0x100  }
0x1c5: {  	[tilespmem:s16], [sflag:$0x2] =	stream.linear.gather @!p0 [hbm4b:s13+s19], $0x20, $0x38;
	[tilespmem:$0x1DA80] =	vst v63  }
0x1c6: {  	s12 =	sadd.s32 @!p0 $0x140000, s12;
	s8 =	sadd.s32 @!p0 $0x140000, s8;
	s16 =	smov.u32 s17  }
.Ltmp0:
0x1c7: {  	s9 =	simm.s32 $0x2;
	s13 =	ssub.s32 s16, s15;
	(pc) =	sbr.rel @!p1 .LBB2_2-.Ltmp0, $4  }
0x1c8: {  	s1 =	simm.s32 $0x1;
	s15 =	simm.s32 @!p0 $0x180;
	s13 =	sadd.s32 @!p0 s13, s23  }
0x1c9: {  	[tilespmem:s15], [sflag:$0x2] =	stream.linear.gather @!p0 [hbm4b:s13+s19], $0x20, $0x38;
	[tilespmem:$0x1DA80] =	vst v63  }
0x1ca: {  	s17 =	smov.u32 s3;
	s23 =	simm.s32 $0x2200;
	s13 =	simm.s32 $0x1200  }
0x1cb: {  	s15 =	smov.u32 s21;
	s21 =	smov.u32 s25;
	s25 =	simm.s32 $0x3200  }
0x1cc: {  	s3 =	simm.s32 $0x5  }
0x1cd: {  	_ =	swait.ge [sflag:s3], $0x4000  }
0x1ce: {  	[sflag:s3] =	ssyncset.done $0x0  }
0x1cf: {  	[sflag:s3] =	ssyncadd.s32 $0xFFFFC000  }
0x1d0: {  	_ =	swait.ge [sflag:s3], $0x1000  }
0x1d1: {  	[sflag:s3] =	ssyncset.done $0x0  }
0x1d2: {  	s29 =	simm.s32 $0x6;
	[sflag:s3] =	ssyncadd.s32 $0xFFFFF000  }
0x1d3: {  	_ =	swait.ge [sflag:s29], $0x4000  }
0x1d4: {  	[sflag:s29] =	ssyncset.done $0x0  }
0x1d5: {  	[sflag:s29] =	ssyncadd.s32 $0xFFFFC000  }
0x1d6: {  	_ =	swait.ge [sflag:s29], $0x1000  }
0x1d7: {  	s8 =	rddreg [dreg:$0x13]  }
0x1d8: {  	s5 =	rddreg [dreg:$0xb];
	s8 =	sadd.s32 $0x1, s8  }
0x1d9: {  	p0 =	sne.s32 s8, s5  }
.Ltmp1:
0x1da: {  	_ = 	snop;
	(pc) =	sbr.rel @p0 .LBB2_1-.Ltmp1, $3  }
0x1db: {  	_ =	sdelay $0x1  }
0x1dc: {  	[sflag:s29] =	ssyncset.done $0x0  }
0x1dd: {  	[sflag:s29] =	ssyncadd.s32 $0xFFFFF000  }
0x1de: {  	_ =	sfence.sel $0x180000  }
0x1df: {  	[bflag:$0x0] =	sbarrier.arrive $0xFFFF  }
0x1e0: {  	_ =	strace $0x90000047  }
0x1e1: {  	s0 =	stileid.u32;
	[bflag:$0x2] =	sbarrier.arrive $0xFFFF  }
0x1e2: {  	p0 =	sne.s32 s0, $0x0;
	s0 =	rddreg [dreg:$0x4]  }
0x1e3: {  	s0 =	sadd.s32 @!p0 $0x100000, s0  }
0x1e4: {  	[sflag:s0] =	ssyncadd.tile.s32 @!p0 $0x1;
	_ =	shalt  }
.Lfunc_end2:
_tile_overlayer_lowered:
.L_overlay_start_2:
0x1e5: {  	(tag) =	ssettag $0x2  }
0x1e6: {  	s0 =	rddreg [dreg:$0x0];
	s2 =	stileid.u32  }
0x1e7: {  	s1 =	rddreg [dreg:$0x1];
	p0 =	sne.s32 s2, $0x0  }
0x1e8: {  	s3 =	rddreg [dreg:$0x2];
	[bflag:$0x3] =	sbarrier.arrive $0xFFFF;
	s2 =	simm.s32 @!p0 $0x1C07  }
0x1e9: {  	[timem:s3], [sflag:s2] =	dma.local @!p0 [hbm:s0], s1  }
0x1ea: {  	s0 =	simm.s32 @!p0 $0x7  }
0x1eb: {  	_ =	swait.ge @!p0 [sflag:s0], s1  }
0x1ec: {  	s1 =	ssub.s32 @!p0 $0x0, s1;
	[sflag:s0] =	ssyncset.done @!p0 $0x0  }
0x1ed: {  	[sflag:s0] =	ssyncadd.s32 @!p0 s1  }
0x1ee: {  	[bflag:$0x3] =	sbarrier.arrive $0xFFFF  }
0x1ef: {  	_ =	shalt  }

</sc_bundles>
